<compile_context>
chip_gen: v7x
topology: tpu7x:2x2x1
jax: 0.10.2.dev20260603
libtpu: 0.0.44.dev20260713+nightly
codegen_flags: <defaults>
</compile_context>

<pallas_src>
import functools

import numpy as np
import jax
import jax.numpy as jnp
from jax import lax
from jax.experimental import pallas as pl
from jax.experimental.pallas import tpu as pltpu
from jax.experimental.pallas import tpu_sc as plsc

_MASKING_PERCENTAGE = 0.75

_B, _N, _D = 64, 1024, 192
_NUNM = _N - int(_MASKING_PERCENTAGE * _N)
_NC, _NS = 2, 16
_NW = _NC * _NS
_BATCH_PW = _B // _NW
_MASK_PW = _BATCH_PW * _N
_CHUNK = 128
_CHUNKS_PB = _NUNM // _CHUNK
_LANES = 16


def _threefry2x32(k0, k1, x0, x1):
    x0 = np.atleast_1d(np.asarray(x0, np.uint32)).copy()
    x1 = np.atleast_1d(np.asarray(x1, np.uint32)).copy()
    ks = [np.uint32(k0), np.uint32(k1),
          np.uint32(k0) ^ np.uint32(k1) ^ np.uint32(0x1BD11BDA)]
    rot = [[13, 15, 26, 6], [17, 29, 16, 24]]
    x0 += ks[0]
    x1 += ks[1]
    for i in range(5):
        for r in rot[i % 2]:
            x0 += x1
            x1 = ((x1 << np.uint32(r)) | (x1 >> np.uint32(32 - r))) ^ x0
        x0 += ks[(i + 1) % 3]
        x1 += ks[(i + 2) % 3] + np.uint32(i + 1)
    return x0, x1


@functools.lru_cache(maxsize=None)
def _mask_constants(batch, num_patches):
    n_mask = int(_MASKING_PERCENTAGE * num_patches)
    f0, f1 = _threefry2x32(0, 0, np.uint32(0), np.uint32(1))
    cnt = np.arange(batch * num_patches, dtype=np.uint64)
    o0, o1 = _threefry2x32(f0[0], f1[0],
                           (cnt >> np.uint64(32)).astype(np.uint32),
                           (cnt & np.uint64(0xFFFFFFFF)).astype(np.uint32))
    bits = o0 ^ o1
    scores = (((bits >> np.uint32(9)) | np.float32(1.0).view(np.uint32))
              .view(np.float32) - np.float32(1.0))
    scores = np.maximum(np.float32(0.0), scores).reshape(batch, num_patches)
    perm = np.argsort(scores, axis=1, kind="stable")
    masked = np.sort(perm[:, :n_mask], axis=1)
    unmasked = np.sort(perm[:, n_mask:], axis=1)
    return masked.astype(np.int32), unmasked.astype(np.int32)


_BB = 16


def _tc_gather_body(x_ref, idx_ref, o_ref):
    iota = lax.broadcasted_iota(jnp.int32, (_N, _NUNM), 0)
    dn = (((1,), (0,)), ((), ()))
    for k in range(_BB):
        x = x_ref[k]
        idxv = idx_ref[k, 0]
        sel = (iota == idxv[None, :]).astype(jnp.bfloat16)
        hi = x.astype(jnp.bfloat16)
        o_ref[k] = lax.dot_general(hi, sel, dn,
                                   preferred_element_type=jnp.float32)


_tc_gather = pl.pallas_call(
    _tc_gather_body,
    grid=(_B // _BB,),
    in_specs=[
        pl.BlockSpec((_BB, _D, _N), lambda b: (b, 0, 0)),
        pl.BlockSpec((_BB, 1, _NUNM), lambda b: (b, 0, 0)),
    ],
    out_specs=pl.BlockSpec((_BB, _D, _NUNM), lambda b: (b, 0, 0)),
    out_shape=jax.ShapeDtypeStruct((_B, _D, _NUNM), jnp.float32),
)


_sc_mesh = plsc.VectorSubcoreMesh(
    core_axis_name="c", subcore_axis_name="s",
    num_cores=_NC, num_subcores=_NS)


@functools.partial(
    pl.kernel,
    out_type=jax.ShapeDtypeStruct((_B * _N,), jnp.int32),
    mesh=_sc_mesh,
    scratch_types=(
        pltpu.VMEM((_BATCH_PW * _CHUNKS_PB, _CHUNK), jnp.int32),
        pltpu.VMEM((_MASK_PW,), jnp.int32),
    ),
    compiler_params=pltpu.CompilerParams(needs_layout_passes=False,
                                         use_tc_tiling_on_sc=False),
)
def _sc_mask(idx_hbm, mask_hbm, idx_v, mask_v):
    wid = lax.axis_index("s") * _NC + lax.axis_index("c")

    nch = _BATCH_PW * _CHUNKS_PB
    pltpu.sync_copy(idx_hbm.at[pl.ds(wid * nch, nch)], idx_v)

    ones = jnp.ones((_LANES,), jnp.int32)
    for i in range(_MASK_PW // _LANES):
        mask_v[pl.ds(i * _LANES, _LANES)] = ones
    zeros = jnp.zeros((_LANES,), jnp.int32)
    for k in range(_BATCH_PW):
        for j in range(_CHUNKS_PB):
            for g in range(_CHUNK // _LANES):
                iv = idx_v[k * _CHUNKS_PB + j, pl.ds(g * _LANES, _LANES)]
                plsc.store_scatter(mask_v, [iv + (k * _N)], zeros)
    pltpu.sync_copy(mask_v, mask_hbm.at[pl.ds(wid * _MASK_PW, _MASK_PW)])


def kernel(patch_embeddings):
    batch, num_patches, embed_dim = patch_embeddings.shape
    masked_np, unmasked_np = _mask_constants(batch, num_patches)
    idx = jnp.asarray(unmasked_np)

    x_t = jnp.transpose(patch_embeddings, (0, 2, 1))
    patches_t = _tc_gather(x_t, idx.reshape(_B, 1, _NUNM))
    patches = jnp.transpose(patches_t, (0, 2, 1))
    mask_i32 = _sc_mask(idx.reshape(_NW * _BATCH_PW * _CHUNKS_PB, _CHUNK))

    bool_mask = mask_i32.reshape(batch, num_patches).astype(bool)
    return (patches, bool_mask,
            jnp.asarray(masked_np), jnp.asarray(unmasked_np))

# --- scband reference (transcript-rebuilt; emitter-appended) ---
"""Pipeline reference for scband-mask-36129264894375 (READ-ONLY COPY).

The authoritative reference and input builder live on the scoring server;
editing this copy changes nothing except your own understanding.
"""

import jax, jax.numpy as jnp
import numpy as np

MASKING_PERCENTAGE = 0.75

def setup_inputs(seed: int = 0) -> dict:
    key = jax.random.key(seed)
    patch_embeddings = jax.random.normal(key, (64, 1024, 192), dtype=jnp.float32)
    return {"patch_embeddings": patch_embeddings}

def reference(patch_embeddings):
    B, num_patches, embed_dim = patch_embeddings.shape
    total_patches_to_mask = int(MASKING_PERCENTAGE * num_patches)
    # 'frame' strategy == _random_masking: random permutation via argsort of uniform scores
    rkey = jax.random.fold_in(jax.random.key(0), 1)
    scores = jax.random.uniform(rkey, (B, num_patches), dtype=jnp.float32)
    perm = jnp.argsort(scores, axis=1)
    masked_indices = jnp.sort(perm[:, :total_patches_to_mask], axis=1)
    unmasked_indices = jnp.sort(perm[:, total_patches_to_mask:], axis=1)
    batch_indices = jnp.arange(B)[:, None]
    # gather only the unmasked patches: [B, num_unmasked, embed_dim]
    unmasked_patches_only = patch_embeddings[batch_indices, unmasked_indices]
    # bool mask: True at masked positions, scatter False at unmasked positions
    bool_mask = jnp.ones((B, num_patches), dtype=bool)
    bool_mask = jax.vmap(lambda m, idx: m.at[idx].set(False))(bool_mask, unmasked_indices)
    return (unmasked_patches_only, bool_mask, masked_indices, unmasked_indices)

if __name__ == "__main__":
    import jax
    _d = setup_inputs()
    print(jax.jit(kernel)(*tuple(_d.values())))

</pallas_src>

<mosaic_0001>
#map = affine_map<(d0, d1) -> (0, 0)>
#map1 = affine_map<(d0, d1) -> (0)>
module attributes {stable_mosaic.version = 14 : i64} {
  func.func @_sc_mask(%arg0: i32, %arg1: i32, %arg2: memref<128x128xi32, #tpu.memory_space<hbm>>, %arg3: memref<65536xi32, #tpu.memory_space<hbm>>, %arg4: memref<4x128xi32, #tpu.memory_space<vmem>>, %arg5: memref<2048xi32, #tpu.memory_space<vmem>>) attributes {dimension_semantics = [#tpu.dimension_semantics<core_parallel>, #tpu.dimension_semantics<subcore_parallel>], iteration_bounds = array<i64: 2, 16>, scalar_prefetch = 0 : i64, scratch_operands = 2 : i64, tpu.core_type = #tpu.core_type<sc_vector_subcore>, window_params = [{transform_indices = #map}, {transform_indices = #map1}]} {
    %mul3A = arith.constant 2 : i32
    %mul3A_0 = arith.muli %arg1, %mul3A : i32
    %add3A = arith.addi %mul3A_0, %arg0 : i32
    %mul3A_1 = arith.constant 4 : i32
    %mul3A_2 = arith.muli %add3A, %mul3A_1 : i32
    "tpu.region"() ({
      %run_scoped3A = tpu.sem_alloc : memref<!tpu.dma_semaphore, #tpu.memory_space<semaphore_mem>>
      %dma_start3A = arith.constant 0 : i32
      %dma_start3A_486 = tpu.memref_slice %arg2[%mul3A_2, %dma_start3A] : memref<128x128xi32, #tpu.memory_space<hbm>> -> memref<4x128xi32, #tpu.memory_space<hbm>>
      %dma_start3A_487 = arith.constant 0 : i32
      %dma_start3A_488 = tpu.memref_slice %arg2[%mul3A_2, %dma_start3A_487] : memref<128x128xi32, #tpu.memory_space<hbm>> -> memref<4x128xi32, #tpu.memory_space<hbm>>
      tpu.enqueue_dma source(%dma_start3A_488 : memref<4x128xi32, #tpu.memory_space<hbm>>) target(%arg4 : memref<4x128xi32, #tpu.memory_space<vmem>>) target_semaphore(%run_scoped3A : memref<!tpu.dma_semaphore, #tpu.memory_space<semaphore_mem>>)
      %dma_wait3A = arith.constant 0 : i32
      %dma_wait3A_489 = tpu.memref_slice %arg2[%mul3A_2, %dma_wait3A] : memref<128x128xi32, #tpu.memory_space<hbm>> -> memref<4x128xi32, #tpu.memory_space<hbm>>
      %dma_wait3A_490 = arith.constant 0 : i32
      %dma_wait3A_491 = tpu.memref_slice %arg2[%mul3A_2, %dma_wait3A_490] : memref<128x128xi32, #tpu.memory_space<hbm>> -> memref<4x128xi32, #tpu.memory_space<hbm>>
      tpu.wait_dma2 semaphore(%run_scoped3A : memref<!tpu.dma_semaphore, #tpu.memory_space<semaphore_mem>>) src(%dma_wait3A_491 : memref<4x128xi32, #tpu.memory_space<hbm>>) dst(%arg4 : memref<4x128xi32, #tpu.memory_space<vmem>>)
      tpu.yield
    }) : () -> ()
    %broadcast_in_dim3A = arith.constant 1 : i32
    %broadcast_in_dim3A_3 = vector.broadcast %broadcast_in_dim3A : i32 to vector<16xi32>
    %swap3A = arith.constant 0 : index
    %swap3A_4 = tpu.vector_load %arg5[%swap3A] {strides = array<i32>} : memref<2048xi32, #tpu.memory_space<vmem>>, vector<16xi32>,
    tpu.vector_store %arg5[%swap3A], %broadcast_in_dim3A_3 {strides = array<i32>} : memref<2048xi32, #tpu.memory_space<vmem>>, vector<16xi32>,
    %swap3A_5 = arith.constant 16 : index
    %swap3A_6 = tpu.vector_load %arg5[%swap3A_5] {strides = array<i32>} : memref<2048xi32, #tpu.memory_space<vmem>>, vector<16xi32>,
    tpu.vector_store %arg5[%swap3A_5], %broadcast_in_dim3A_3 {strides = array<i32>} : memref<2048xi32, #tpu.memory_space<vmem>>, vector<16xi32>,
    %swap3A_7 = arith.constant 32 : index
    %swap3A_8 = tpu.vector_load %arg5[%swap3A_7] {strides = array<i32>} : memref<2048xi32, #tpu.memory_space<vmem>>, vector<16xi32>,
    tpu.vector_store %arg5[%swap3A_7], %broadcast_in_dim3A_3 {strides = array<i32>} : memref<2048xi32, #tpu.memory_space<vmem>>, vector<16xi32>,
    %swap3A_9 = arith.constant 48 : index
    %swap3A_10 = tpu.vector_load %arg5[%swap3A_9] {strides = array<i32>} : memref<2048xi32, #tpu.memory_space<vmem>>, vector<16xi32>,
    tpu.vector_store %arg5[%swap3A_9], %broadcast_in_dim3A_3 {strides = array<i32>} : memref<2048xi32, #tpu.memory_space<vmem>>, vector<16xi32>,
    %swap3A_11 = arith.constant 64 : index
    %swap3A_12 = tpu.vector_load %arg5[%swap3A_11] {strides = array<i32>} : memref<2048xi32, #tpu.memory_space<vmem>>, vector<16xi32>,
    tpu.vector_store %arg5[%swap3A_11], %broadcast_in_dim3A_3 {strides = array<i32>} : memref<2048xi32, #tpu.memory_space<vmem>>, vector<16xi32>,
    %swap3A_13 = arith.constant 80 : index
    %swap3A_14 = tpu.vector_load %arg5[%swap3A_13] {strides = array<i32>} : memref<2048xi32, #tpu.memory_space<vmem>>, vector<16xi32>,
    tpu.vector_store %arg5[%swap3A_13], %broadcast_in_dim3A_3 {strides = array<i32>} : memref<2048xi32, #tpu.memory_space<vmem>>, vector<16xi32>,
    %swap3A_15 = arith.constant 96 : index
    %swap3A_16 = tpu.vector_load %arg5[%swap3A_15] {strides = array<i32>} : memref<2048xi32, #tpu.memory_space<vmem>>, vector<16xi32>,
    tpu.vector_store %arg5[%swap3A_15], %broadcast_in_dim3A_3 {strides = array<i32>} : memref<2048xi32, #tpu.memory_space<vmem>>, vector<16xi32>,
    %swap3A_17 = arith.constant 112 : index
    %swap3A_18 = tpu.vector_load %arg5[%swap3A_17] {strides = array<i32>} : memref<2048xi32, #tpu.memory_space<vmem>>, vector<16xi32>,
    tpu.vector_store %arg5[%swap3A_17], %broadcast_in_dim3A_3 {strides = array<i32>} : memref<2048xi32, #tpu.memory_space<vmem>>, vector<16xi32>,
    %swap3A_19 = arith.constant 128 : index
    %swap3A_20 = tpu.vector_load %arg5[%swap3A_19] {strides = array<i32>} : memref<2048xi32, #tpu.memory_space<vmem>>, vector<16xi32>,
    tpu.vector_store %arg5[%swap3A_19], %broadcast_in_dim3A_3 {strides = array<i32>} : memref<2048xi32, #tpu.memory_space<vmem>>, vector<16xi32>,
    %swap3A_21 = arith.constant 144 : index
    %swap3A_22 = tpu.vector_load %arg5[%swap3A_21] {strides = array<i32>} : memref<2048xi32, #tpu.memory_space<vmem>>, vector<16xi32>,
    tpu.vector_store %arg5[%swap3A_21], %broadcast_in_dim3A_3 {strides = array<i32>} : memref<2048xi32, #tpu.memory_space<vmem>>, vector<16xi32>,
    %swap3A_23 = arith.constant 160 : index
    %swap3A_24 = tpu.vector_load %arg5[%swap3A_23] {strides = array<i32>} : memref<2048xi32, #tpu.memory_space<vmem>>, vector<16xi32>,
    tpu.vector_store %arg5[%swap3A_23], %broadcast_in_dim3A_3 {strides = array<i32>} : memref<2048xi32, #tpu.memory_space<vmem>>, vector<16xi32>,
    %swap3A_25 = arith.constant 176 : index
    %swap3A_26 = tpu.vector_load %arg5[%swap3A_25] {strides = array<i32>} : memref<2048xi32, #tpu.memory_space<vmem>>, vector<16xi32>,
    tpu.vector_store %arg5[%swap3A_25], %broadcast_in_dim3A_3 {strides = array<i32>} : memref<2048xi32, #tpu.memory_space<vmem>>, vector<16xi32>,
    %swap3A_27 = arith.constant 192 : index
    %swap3A_28 = tpu.vector_load %arg5[%swap3A_27] {strides = array<i32>} : memref<2048xi32, #tpu.memory_space<vmem>>, vector<16xi32>,
    tpu.vector_store %arg5[%swap3A_27], %broadcast_in_dim3A_3 {strides = array<i32>} : memref<2048xi32, #tpu.memory_space<vmem>>, vector<16xi32>,
    %swap3A_29 = arith.constant 208 : index
    %swap3A_30 = tpu.vector_load %arg5[%swap3A_29] {strides = array<i32>} : memref<2048xi32, #tpu.memory_space<vmem>>, vector<16xi32>,
    tpu.vector_store %arg5[%swap3A_29], %broadcast_in_dim3A_3 {strides = array<i32>} : memref<2048xi32, #tpu.memory_space<vmem>>, vector<16xi32>,
    %swap3A_31 = arith.constant 224 : index
    %swap3A_32 = tpu.vector_load %arg5[%swap3A_31] {strides = array<i32>} : memref<2048xi32, #tpu.memory_space<vmem>>, vector<16xi32>,
    tpu.vector_store %arg5[%swap3A_31], %broadcast_in_dim3A_3 {strides = array<i32>} : memref<2048xi32, #tpu.memory_space<vmem>>, vector<16xi32>,
    %swap3A_33 = arith.constant 240 : index
    %swap3A_34 = tpu.vector_load %arg5[%swap3A_33] {strides = array<i32>} : memref<2048xi32, #tpu.memory_space<vmem>>, vector<16xi32>,
    tpu.vector_store %arg5[%swap3A_33], %broadcast_in_dim3A_3 {strides = array<i32>} : memref<2048xi32, #tpu.memory_space<vmem>>, vector<16xi32>,
    %swap3A_35 = arith.constant 256 : index
    %swap3A_36 = tpu.vector_load %arg5[%swap3A_35] {strides = array<i32>} : memref<2048xi32, #tpu.memory_space<vmem>>, vector<16xi32>,
    tpu.vector_store %arg5[%swap3A_35], %broadcast_in_dim3A_3 {strides = array<i32>} : memref<2048xi32, #tpu.memory_space<vmem>>, vector<16xi32>,
    %swap3A_37 = arith.constant 272 : index
    %swap3A_38 = tpu.vector_load %arg5[%swap3A_37] {strides = array<i32>} : memref<2048xi32, #tpu.memory_space<vmem>>, vector<16xi32>,
    tpu.vector_store %arg5[%swap3A_37], %broadcast_in_dim3A_3 {strides = array<i32>} : memref<2048xi32, #tpu.memory_space<vmem>>, vector<16xi32>,
    %swap3A_39 = arith.constant 288 : index
    %swap3A_40 = tpu.vector_load %arg5[%swap3A_39] {strides = array<i32>} : memref<2048xi32, #tpu.memory_space<vmem>>, vector<16xi32>,
    tpu.vector_store %arg5[%swap3A_39], %broadcast_in_dim3A_3 {strides = array<i32>} : memref<2048xi32, #tpu.memory_space<vmem>>, vector<16xi32>,
    %swap3A_41 = arith.constant 304 : index
    %swap3A_42 = tpu.vector_load %arg5[%swap3A_41] {strides = array<i32>} : memref<2048xi32, #tpu.memory_space<vmem>>, vector<16xi32>,
    tpu.vector_store %arg5[%swap3A_41], %broadcast_in_dim3A_3 {strides = array<i32>} : memref<2048xi32, #tpu.memory_space<vmem>>, vector<16xi32>,
    %swap3A_43 = arith.constant 320 : index
    %swap3A_44 = tpu.vector_load %arg5[%swap3A_43] {strides = array<i32>} : memref<2048xi32, #tpu.memory_space<vmem>>, vector<16xi32>,
    tpu.vector_store %arg5[%swap3A_43], %broadcast_in_dim3A_3 {strides = array<i32>} : memref<2048xi32, #tpu.memory_space<vmem>>, vector<16xi32>,
    %swap3A_45 = arith.constant 336 : index
    %swap3A_46 = tpu.vector_load %arg5[%swap3A_45] {strides = array<i32>} : memref<2048xi32, #tpu.memory_space<vmem>>, vector<16xi32>,
    tpu.vector_store %arg5[%swap3A_45], %broadcast_in_dim3A_3 {strides = array<i32>} : memref<2048xi32, #tpu.memory_space<vmem>>, vector<16xi32>,
    %swap3A_47 = arith.constant 352 : index
    %swap3A_48 = tpu.vector_load %arg5[%swap3A_47] {strides = array<i32>} : memref<2048xi32, #tpu.memory_space<vmem>>, vector<16xi32>,
    tpu.vector_store %arg5[%swap3A_47], %broadcast_in_dim3A_3 {strides = array<i32>} : memref<2048xi32, #tpu.memory_space<vmem>>, vector<16xi32>,
    %swap3A_49 = arith.constant 368 : index
    %swap3A_50 = tpu.vector_load %arg5[%swap3A_49] {strides = array<i32>} : memref<2048xi32, #tpu.memory_space<vmem>>, vector<16xi32>,
    tpu.vector_store %arg5[%swap3A_49], %broadcast_in_dim3A_3 {strides = array<i32>} : memref<2048xi32, #tpu.memory_space<vmem>>, vector<16xi32>,
    %swap3A_51 = arith.constant 384 : index
    %swap3A_52 = tpu.vector_load %arg5[%swap3A_51] {strides = array<i32>} : memref<2048xi32, #tpu.memory_space<vmem>>, vector<16xi32>,
    tpu.vector_store %arg5[%swap3A_51], %broadcast_in_dim3A_3 {strides = array<i32>} : memref<2048xi32, #tpu.memory_space<vmem>>, vector<16xi32>,
    %swap3A_53 = arith.constant 400 : index
    %swap3A_54 = tpu.vector_load %arg5[%swap3A_53] {strides = array<i32>} : memref<2048xi32, #tpu.memory_space<vmem>>, vector<16xi32>,
    tpu.vector_store %arg5[%swap3A_53], %broadcast_in_dim3A_3 {strides = array<i32>} : memref<2048xi32, #tpu.memory_space<vmem>>, vector<16xi32>,
    %swap3A_55 = arith.constant 416 : index
    %swap3A_56 = tpu.vector_load %arg5[%swap3A_55] {strides = array<i32>} : memref<2048xi32, #tpu.memory_space<vmem>>, vector<16xi32>,
    tpu.vector_store %arg5[%swap3A_55], %broadcast_in_dim3A_3 {strides = array<i32>} : memref<2048xi32, #tpu.memory_space<vmem>>, vector<16xi32>,
    %swap3A_57 = arith.constant 432 : index
    %swap3A_58 = tpu.vector_load %arg5[%swap3A_57] {strides = array<i32>} : memref<2048xi32, #tpu.memory_space<vmem>>, vector<16xi32>,
    tpu.vector_store %arg5[%swap3A_57], %broadcast_in_dim3A_3 {strides = array<i32>} : memref<2048xi32, #tpu.memory_space<vmem>>, vector<16xi32>,
    %swap3A_59 = arith.constant 448 : index
    %swap3A_60 = tpu.vector_load %arg5[%swap3A_59] {strides = array<i32>} : memref<2048xi32, #tpu.memory_space<vmem>>, vector<16xi32>,
    tpu.vector_store %arg5[%swap3A_59], %broadcast_in_dim3A_3 {strides = array<i32>} : memref<2048xi32, #tpu.memory_space<vmem>>, vector<16xi32>,
    %swap3A_61 = arith.constant 464 : index
    %swap3A_62 = tpu.vector_load %arg5[%swap3A_61] {strides = array<i32>} : memref<2048xi32, #tpu.memory_space<vmem>>, vector<16xi32>,
    tpu.vector_store %arg5[%swap3A_61], %broadcast_in_dim3A_3 {strides = array<i32>} : memref<2048xi32, #tpu.memory_space<vmem>>, vector<16xi32>,
    %swap3A_63 = arith.constant 480 : index
    %swap3A_64 = tpu.vector_load %arg5[%swap3A_63] {strides = array<i32>} : memref<2048xi32, #tpu.memory_space<vmem>>, vector<16xi32>,
    tpu.vector_store %arg5[%swap3A_63], %broadcast_in_dim3A_3 {strides = array<i32>} : memref<2048xi32, #tpu.memory_space<vmem>>, vector<16xi32>,
    %swap3A_65 = arith.constant 496 : index
    %swap3A_66 = tpu.vector_load %arg5[%swap3A_65] {strides = array<i32>} : memref<2048xi32, #tpu.memory_space<vmem>>, vector<16xi32>,
    tpu.vector_store %arg5[%swap3A_65], %broadcast_in_dim3A_3 {strides = array<i32>} : memref<2048xi32, #tpu.memory_space<vmem>>, vector<16xi32>,
    %swap3A_67 = arith.constant 512 : index
    %swap3A_68 = tpu.vector_load %arg5[%swap3A_67] {strides = array<i32>} : memref<2048xi32, #tpu.memory_space<vmem>>, vector<16xi32>,
    tpu.vector_store %arg5[%swap3A_67], %broadcast_in_dim3A_3 {strides = array<i32>} : memref<2048xi32, #tpu.memory_space<vmem>>, vector<16xi32>,
    %swap3A_69 = arith.constant 528 : index
    %swap3A_70 = tpu.vector_load %arg5[%swap3A_69] {strides = array<i32>} : memref<2048xi32, #tpu.memory_space<vmem>>, vector<16xi32>,
    tpu.vector_store %arg5[%swap3A_69], %broadcast_in_dim3A_3 {strides = array<i32>} : memref<2048xi32, #tpu.memory_space<vmem>>, vector<16xi32>,
    %swap3A_71 = arith.constant 544 : index
    %swap3A_72 = tpu.vector_load %arg5[%swap3A_71] {strides = array<i32>} : memref<2048xi32, #tpu.memory_space<vmem>>, vector<16xi32>,
    tpu.vector_store %arg5[%swap3A_71], %broadcast_in_dim3A_3 {strides = array<i32>} : memref<2048xi32, #tpu.memory_space<vmem>>, vector<16xi32>,
    %swap3A_73 = arith.constant 560 : index
    %swap3A_74 = tpu.vector_load %arg5[%swap3A_73] {strides = array<i32>} : memref<2048xi32, #tpu.memory_space<vmem>>, vector<16xi32>,
    tpu.vector_store %arg5[%swap3A_73], %broadcast_in_dim3A_3 {strides = array<i32>} : memref<2048xi32, #tpu.memory_space<vmem>>, vector<16xi32>,
    %swap3A_75 = arith.constant 576 : index
    %swap3A_76 = tpu.vector_load %arg5[%swap3A_75] {strides = array<i32>} : memref<2048xi32, #tpu.memory_space<vmem>>, vector<16xi32>,
    tpu.vector_store %arg5[%swap3A_75], %broadcast_in_dim3A_3 {strides = array<i32>} : memref<2048xi32, #tpu.memory_space<vmem>>, vector<16xi32>,
    %swap3A_77 = arith.constant 592 : index
    %swap3A_78 = tpu.vector_load %arg5[%swap3A_77] {strides = array<i32>} : memref<2048xi32, #tpu.memory_space<vmem>>, vector<16xi32>,
    tpu.vector_store %arg5[%swap3A_77], %broadcast_in_dim3A_3 {strides = array<i32>} : memref<2048xi32, #tpu.memory_space<vmem>>, vector<16xi32>,
    %swap3A_79 = arith.constant 608 : index
    %swap3A_80 = tpu.vector_load %arg5[%swap3A_79] {strides = array<i32>} : memref<2048xi32, #tpu.memory_space<vmem>>, vector<16xi32>,
    tpu.vector_store %arg5[%swap3A_79], %broadcast_in_dim3A_3 {strides = array<i32>} : memref<2048xi32, #tpu.memory_space<vmem>>, vector<16xi32>,
    %swap3A_81 = arith.constant 624 : index
    %swap3A_82 = tpu.vector_load %arg5[%swap3A_81] {strides = array<i32>} : memref<2048xi32, #tpu.memory_space<vmem>>, vector<16xi32>,
    tpu.vector_store %arg5[%swap3A_81], %broadcast_in_dim3A_3 {strides = array<i32>} : memref<2048xi32, #tpu.memory_space<vmem>>, vector<16xi32>,
    %swap3A_83 = arith.constant 640 : index
    %swap3A_84 = tpu.vector_load %arg5[%swap3A_83] {strides = array<i32>} : memref<2048xi32, #tpu.memory_space<vmem>>, vector<16xi32>,
    tpu.vector_store %arg5[%swap3A_83], %broadcast_in_dim3A_3 {strides = array<i32>} : memref<2048xi32, #tpu.memory_space<vmem>>, vector<16xi32>,
    %swap3A_85 = arith.constant 656 : index
    %swap3A_86 = tpu.vector_load %arg5[%swap3A_85] {strides = array<i32>} : memref<2048xi32, #tpu.memory_space<vmem>>, vector<16xi32>,
    tpu.vector_store %arg5[%swap3A_85], %broadcast_in_dim3A_3 {strides = array<i32>} : memref<2048xi32, #tpu.memory_space<vmem>>, vector<16xi32>,
    %swap3A_87 = arith.constant 672 : index
    %swap3A_88 = tpu.vector_load %arg5[%swap3A_87] {strides = array<i32>} : memref<2048xi32, #tpu.memory_space<vmem>>, vector<16xi32>,
    tpu.vector_store %arg5[%swap3A_87], %broadcast_in_dim3A_3 {strides = array<i32>} : memref<2048xi32, #tpu.memory_space<vmem>>, vector<16xi32>,
    %swap3A_89 = arith.constant 688 : index
    %swap3A_90 = tpu.vector_load %arg5[%swap3A_89] {strides = array<i32>} : memref<2048xi32, #tpu.memory_space<vmem>>, vector<16xi32>,
    tpu.vector_store %arg5[%swap3A_89], %broadcast_in_dim3A_3 {strides = array<i32>} : memref<2048xi32, #tpu.memory_space<vmem>>, vector<16xi32>,
    %swap3A_91 = arith.constant 704 : index
    %swap3A_92 = tpu.vector_load %arg5[%swap3A_91] {strides = array<i32>} : memref<2048xi32, #tpu.memory_space<vmem>>, vector<16xi32>,
    tpu.vector_store %arg5[%swap3A_91], %broadcast_in_dim3A_3 {strides = array<i32>} : memref<2048xi32, #tpu.memory_space<vmem>>, vector<16xi32>,
    %swap3A_93 = arith.constant 720 : index
    %swap3A_94 = tpu.vector_load %arg5[%swap3A_93] {strides = array<i32>} : memref<2048xi32, #tpu.memory_space<vmem>>, vector<16xi32>,
    tpu.vector_store %arg5[%swap3A_93], %broadcast_in_dim3A_3 {strides = array<i32>} : memref<2048xi32, #tpu.memory_space<vmem>>, vector<16xi32>,
    %swap3A_95 = arith.constant 736 : index
    %swap3A_96 = tpu.vector_load %arg5[%swap3A_95] {strides = array<i32>} : memref<2048xi32, #tpu.memory_space<vmem>>, vector<16xi32>,
    tpu.vector_store %arg5[%swap3A_95], %broadcast_in_dim3A_3 {strides = array<i32>} : memref<2048xi32, #tpu.memory_space<vmem>>, vector<16xi32>,
    %swap3A_97 = arith.constant 752 : index
    %swap3A_98 = tpu.vector_load %arg5[%swap3A_97] {strides = array<i32>} : memref<2048xi32, #tpu.memory_space<vmem>>, vector<16xi32>,
    tpu.vector_store %arg5[%swap3A_97], %broadcast_in_dim3A_3 {strides = array<i32>} : memref<2048xi32, #tpu.memory_space<vmem>>, vector<16xi32>,
    %swap3A_99 = arith.constant 768 : index
    %swap3A_100 = tpu.vector_load %arg5[%swap3A_99] {strides = array<i32>} : memref<2048xi32, #tpu.memory_space<vmem>>, vector<16xi32>,
    tpu.vector_store %arg5[%swap3A_99], %broadcast_in_dim3A_3 {strides = array<i32>} : memref<2048xi32, #tpu.memory_space<vmem>>, vector<16xi32>,
    %swap3A_101 = arith.constant 784 : index
    %swap3A_102 = tpu.vector_load %arg5[%swap3A_101] {strides = array<i32>} : memref<2048xi32, #tpu.memory_space<vmem>>, vector<16xi32>,
    tpu.vector_store %arg5[%swap3A_101], %broadcast_in_dim3A_3 {strides = array<i32>} : memref<2048xi32, #tpu.memory_space<vmem>>, vector<16xi32>,
    %swap3A_103 = arith.constant 800 : index
    %swap3A_104 = tpu.vector_load %arg5[%swap3A_103] {strides = array<i32>} : memref<2048xi32, #tpu.memory_space<vmem>>, vector<16xi32>,
    tpu.vector_store %arg5[%swap3A_103], %broadcast_in_dim3A_3 {strides = array<i32>} : memref<2048xi32, #tpu.memory_space<vmem>>, vector<16xi32>,
    %swap3A_105 = arith.constant 816 : index
    %swap3A_106 = tpu.vector_load %arg5[%swap3A_105] {strides = array<i32>} : memref<2048xi32, #tpu.memory_space<vmem>>, vector<16xi32>,
    tpu.vector_store %arg5[%swap3A_105], %broadcast_in_dim3A_3 {strides = array<i32>} : memref<2048xi32, #tpu.memory_space<vmem>>, vector<16xi32>,
    %swap3A_107 = arith.constant 832 : index
    %swap3A_108 = tpu.vector_load %arg5[%swap3A_107] {strides = array<i32>} : memref<2048xi32, #tpu.memory_space<vmem>>, vector<16xi32>,
    tpu.vector_store %arg5[%swap3A_107], %broadcast_in_dim3A_3 {strides = array<i32>} : memref<2048xi32, #tpu.memory_space<vmem>>, vector<16xi32>,
    %swap3A_109 = arith.constant 848 : index
    %swap3A_110 = tpu.vector_load %arg5[%swap3A_109] {strides = array<i32>} : memref<2048xi32, #tpu.memory_space<vmem>>, vector<16xi32>,
    tpu.vector_store %arg5[%swap3A_109], %broadcast_in_dim3A_3 {strides = array<i32>} : memref<2048xi32, #tpu.memory_space<vmem>>, vector<16xi32>,
    %swap3A_111 = arith.constant 864 : index
    %swap3A_112 = tpu.vector_load %arg5[%swap3A_111] {strides = array<i32>} : memref<2048xi32, #tpu.memory_space<vmem>>, vector<16xi32>,
    tpu.vector_store %arg5[%swap3A_111], %broadcast_in_dim3A_3 {strides = array<i32>} : memref<2048xi32, #tpu.memory_space<vmem>>, vector<16xi32>,
    %swap3A_113 = arith.constant 880 : index
    %swap3A_114 = tpu.vector_load %arg5[%swap3A_113] {strides = array<i32>} : memref<2048xi32, #tpu.memory_space<vmem>>, vector<16xi32>,
    tpu.vector_store %arg5[%swap3A_113], %broadcast_in_dim3A_3 {strides = array<i32>} : memref<2048xi32, #tpu.memory_space<vmem>>, vector<16xi32>,
    %swap3A_115 = arith.constant 896 : index
    %swap3A_116 = tpu.vector_load %arg5[%swap3A_115] {strides = array<i32>} : memref<2048xi32, #tpu.memory_space<vmem>>, vector<16xi32>,
    tpu.vector_store %arg5[%swap3A_115], %broadcast_in_dim3A_3 {strides = array<i32>} : memref<2048xi32, #tpu.memory_space<vmem>>, vector<16xi32>,
    %swap3A_117 = arith.constant 912 : index
    %swap3A_118 = tpu.vector_load %arg5[%swap3A_117] {strides = array<i32>} : memref<2048xi32, #tpu.memory_space<vmem>>, vector<16xi32>,
    tpu.vector_store %arg5[%swap3A_117], %broadcast_in_dim3A_3 {strides = array<i32>} : memref<2048xi32, #tpu.memory_space<vmem>>, vector<16xi32>,
    %swap3A_119 = arith.constant 928 : index
    %swap3A_120 = tpu.vector_load %arg5[%swap3A_119] {strides = array<i32>} : memref<2048xi32, #tpu.memory_space<vmem>>, vector<16xi32>,
    tpu.vector_store %arg5[%swap3A_119], %broadcast_in_dim3A_3 {strides = array<i32>} : memref<2048xi32, #tpu.memory_space<vmem>>, vector<16xi32>,
    %swap3A_121 = arith.constant 944 : index
    %swap3A_122 = tpu.vector_load %arg5[%swap3A_121] {strides = array<i32>} : memref<2048xi32, #tpu.memory_space<vmem>>, vector<16xi32>,
    tpu.vector_store %arg5[%swap3A_121], %broadcast_in_dim3A_3 {strides = array<i32>} : memref<2048xi32, #tpu.memory_space<vmem>>, vector<16xi32>,
    %swap3A_123 = arith.constant 960 : index
    %swap3A_124 = tpu.vector_load %arg5[%swap3A_123] {strides = array<i32>} : memref<2048xi32, #tpu.memory_space<vmem>>, vector<16xi32>,
    tpu.vector_store %arg5[%swap3A_123], %broadcast_in_dim3A_3 {strides = array<i32>} : memref<2048xi32, #tpu.memory_space<vmem>>, vector<16xi32>,
    %swap3A_125 = arith.constant 976 : index
    %swap3A_126 = tpu.vector_load %arg5[%swap3A_125] {strides = array<i32>} : memref<2048xi32, #tpu.memory_space<vmem>>, vector<16xi32>,
    tpu.vector_store %arg5[%swap3A_125], %broadcast_in_dim3A_3 {strides = array<i32>} : memref<2048xi32, #tpu.memory_space<vmem>>, vector<16xi32>,
    %swap3A_127 = arith.constant 992 : index
    %swap3A_128 = tpu.vector_load %arg5[%swap3A_127] {strides = array<i32>} : memref<2048xi32, #tpu.memory_space<vmem>>, vector<16xi32>,
    tpu.vector_store %arg5[%swap3A_127], %broadcast_in_dim3A_3 {strides = array<i32>} : memref<2048xi32, #tpu.memory_space<vmem>>, vector<16xi32>,
    %swap3A_129 = arith.constant 1008 : index
    %swap3A_130 = tpu.vector_load %arg5[%swap3A_129] {strides = array<i32>} : memref<2048xi32, #tpu.memory_space<vmem>>, vector<16xi32>,
    tpu.vector_store %arg5[%swap3A_129], %broadcast_in_dim3A_3 {strides = array<i32>} : memref<2048xi32, #tpu.memory_space<vmem>>, vector<16xi32>,
    %swap3A_131 = arith.constant 1024 : index
    %swap3A_132 = tpu.vector_load %arg5[%swap3A_131] {strides = array<i32>} : memref<2048xi32, #tpu.memory_space<vmem>>, vector<16xi32>,
    tpu.vector_store %arg5[%swap3A_131], %broadcast_in_dim3A_3 {strides = array<i32>} : memref<2048xi32, #tpu.memory_space<vmem>>, vector<16xi32>,
    %swap3A_133 = arith.constant 1040 : index
    %swap3A_134 = tpu.vector_load %arg5[%swap3A_133] {strides = array<i32>} : memref<2048xi32, #tpu.memory_space<vmem>>, vector<16xi32>,
    tpu.vector_store %arg5[%swap3A_133], %broadcast_in_dim3A_3 {strides = array<i32>} : memref<2048xi32, #tpu.memory_space<vmem>>, vector<16xi32>,
    %swap3A_135 = arith.constant 1056 : index
    %swap3A_136 = tpu.vector_load %arg5[%swap3A_135] {strides = array<i32>} : memref<2048xi32, #tpu.memory_space<vmem>>, vector<16xi32>,
    tpu.vector_store %arg5[%swap3A_135], %broadcast_in_dim3A_3 {strides = array<i32>} : memref<2048xi32, #tpu.memory_space<vmem>>, vector<16xi32>,
    %swap3A_137 = arith.constant 1072 : index
    %swap3A_138 = tpu.vector_load %arg5[%swap3A_137] {strides = array<i32>} : memref<2048xi32, #tpu.memory_space<vmem>>, vector<16xi32>,
    tpu.vector_store %arg5[%swap3A_137], %broadcast_in_dim3A_3 {strides = array<i32>} : memref<2048xi32, #tpu.memory_space<vmem>>, vector<16xi32>,
    %swap3A_139 = arith.constant 1088 : index
    %swap3A_140 = tpu.vector_load %arg5[%swap3A_139] {strides = array<i32>} : memref<2048xi32, #tpu.memory_space<vmem>>, vector<16xi32>,
    tpu.vector_store %arg5[%swap3A_139], %broadcast_in_dim3A_3 {strides = array<i32>} : memref<2048xi32, #tpu.memory_space<vmem>>, vector<16xi32>,
    %swap3A_141 = arith.constant 1104 : index
    %swap3A_142 = tpu.vector_load %arg5[%swap3A_141] {strides = array<i32>} : memref<2048xi32, #tpu.memory_space<vmem>>, vector<16xi32>,
    tpu.vector_store %arg5[%swap3A_141], %broadcast_in_dim3A_3 {strides = array<i32>} : memref<2048xi32, #tpu.memory_space<vmem>>, vector<16xi32>,
    %swap3A_143 = arith.constant 1120 : index
    %swap3A_144 = tpu.vector_load %arg5[%swap3A_143] {strides = array<i32>} : memref<2048xi32, #tpu.memory_space<vmem>>, vector<16xi32>,
    tpu.vector_store %arg5[%swap3A_143], %broadcast_in_dim3A_3 {strides = array<i32>} : memref<2048xi32, #tpu.memory_space<vmem>>, vector<16xi32>,
    %swap3A_145 = arith.constant 1136 : index
    %swap3A_146 = tpu.vector_load %arg5[%swap3A_145] {strides = array<i32>} : memref<2048xi32, #tpu.memory_space<vmem>>, vector<16xi32>,
    tpu.vector_store %arg5[%swap3A_145], %broadcast_in_dim3A_3 {strides = array<i32>} : memref<2048xi32, #tpu.memory_space<vmem>>, vector<16xi32>,
    %swap3A_147 = arith.constant 1152 : index
    %swap3A_148 = tpu.vector_load %arg5[%swap3A_147] {strides = array<i32>} : memref<2048xi32, #tpu.memory_space<vmem>>, vector<16xi32>,
    tpu.vector_store %arg5[%swap3A_147], %broadcast_in_dim3A_3 {strides = array<i32>} : memref<2048xi32, #tpu.memory_space<vmem>>, vector<16xi32>,
    %swap3A_149 = arith.constant 1168 : index
    %swap3A_150 = tpu.vector_load %arg5[%swap3A_149] {strides = array<i32>} : memref<2048xi32, #tpu.memory_space<vmem>>, vector<16xi32>,
    tpu.vector_store %arg5[%swap3A_149], %broadcast_in_dim3A_3 {strides = array<i32>} : memref<2048xi32, #tpu.memory_space<vmem>>, vector<16xi32>,
    %swap3A_151 = arith.constant 1184 : index
    %swap3A_152 = tpu.vector_load %arg5[%swap3A_151] {strides = array<i32>} : memref<2048xi32, #tpu.memory_space<vmem>>, vector<16xi32>,
    tpu.vector_store %arg5[%swap3A_151], %broadcast_in_dim3A_3 {strides = array<i32>} : memref<2048xi32, #tpu.memory_space<vmem>>, vector<16xi32>,
    %swap3A_153 = arith.constant 1200 : index
    %swap3A_154 = tpu.vector_load %arg5[%swap3A_153] {strides = array<i32>} : memref<2048xi32, #tpu.memory_space<vmem>>, vector<16xi32>,
    tpu.vector_store %arg5[%swap3A_153], %broadcast_in_dim3A_3 {strides = array<i32>} : memref<2048xi32, #tpu.memory_space<vmem>>, vector<16xi32>,
    %swap3A_155 = arith.constant 1216 : index
    %swap3A_156 = tpu.vector_load %arg5[%swap3A_155] {strides = array<i32>} : memref<2048xi32, #tpu.memory_space<vmem>>, vector<16xi32>,
    tpu.vector_store %arg5[%swap3A_155], %broadcast_in_dim3A_3 {strides = array<i32>} : memref<2048xi32, #tpu.memory_space<vmem>>, vector<16xi32>,
    %swap3A_157 = arith.constant 1232 : index
    %swap3A_158 = tpu.vector_load %arg5[%swap3A_157] {strides = array<i32>} : memref<2048xi32, #tpu.memory_space<vmem>>, vector<16xi32>,
    tpu.vector_store %arg5[%swap3A_157], %broadcast_in_dim3A_3 {strides = array<i32>} : memref<2048xi32, #tpu.memory_space<vmem>>, vector<16xi32>,
    %swap3A_159 = arith.constant 1248 : index
    %swap3A_160 = tpu.vector_load %arg5[%swap3A_159] {strides = array<i32>} : memref<2048xi32, #tpu.memory_space<vmem>>, vector<16xi32>,
    tpu.vector_store %arg5[%swap3A_159], %broadcast_in_dim3A_3 {strides = array<i32>} : memref<2048xi32, #tpu.memory_space<vmem>>, vector<16xi32>,
    %swap3A_161 = arith.constant 1264 : index
    %swap3A_162 = tpu.vector_load %arg5[%swap3A_161] {strides = array<i32>} : memref<2048xi32, #tpu.memory_space<vmem>>, vector<16xi32>,
    tpu.vector_store %arg5[%swap3A_161], %broadcast_in_dim3A_3 {strides = array<i32>} : memref<2048xi32, #tpu.memory_space<vmem>>, vector<16xi32>,
    %swap3A_163 = arith.constant 1280 : index
    %swap3A_164 = tpu.vector_load %arg5[%swap3A_163] {strides = array<i32>} : memref<2048xi32, #tpu.memory_space<vmem>>, vector<16xi32>,
    tpu.vector_store %arg5[%swap3A_163], %broadcast_in_dim3A_3 {strides = array<i32>} : memref<2048xi32, #tpu.memory_space<vmem>>, vector<16xi32>,
    %swap3A_165 = arith.constant 1296 : index
    %swap3A_166 = tpu.vector_load %arg5[%swap3A_165] {strides = array<i32>} : memref<2048xi32, #tpu.memory_space<vmem>>, vector<16xi32>,
    tpu.vector_store %arg5[%swap3A_165], %broadcast_in_dim3A_3 {strides = array<i32>} : memref<2048xi32, #tpu.memory_space<vmem>>, vector<16xi32>,
    %swap3A_167 = arith.constant 1312 : index
    %swap3A_168 = tpu.vector_load %arg5[%swap3A_167] {strides = array<i32>} : memref<2048xi32, #tpu.memory_space<vmem>>, vector<16xi32>,
    tpu.vector_store %arg5[%swap3A_167], %broadcast_in_dim3A_3 {strides = array<i32>} : memref<2048xi32, #tpu.memory_space<vmem>>, vector<16xi32>,
    %swap3A_169 = arith.constant 1328 : index
    %swap3A_170 = tpu.vector_load %arg5[%swap3A_169] {strides = array<i32>} : memref<2048xi32, #tpu.memory_space<vmem>>, vector<16xi32>,
    tpu.vector_store %arg5[%swap3A_169], %broadcast_in_dim3A_3 {strides = array<i32>} : memref<2048xi32, #tpu.memory_space<vmem>>, vector<16xi32>,
    %swap3A_171 = arith.constant 1344 : index
    %swap3A_172 = tpu.vector_load %arg5[%swap3A_171] {strides = array<i32>} : memref<2048xi32, #tpu.memory_space<vmem>>, vector<16xi32>,
    tpu.vector_store %arg5[%swap3A_171], %broadcast_in_dim3A_3 {strides = array<i32>} : memref<2048xi32, #tpu.memory_space<vmem>>, vector<16xi32>,
    %swap3A_173 = arith.constant 1360 : index
    %swap3A_174 = tpu.vector_load %arg5[%swap3A_173] {strides = array<i32>} : memref<2048xi32, #tpu.memory_space<vmem>>, vector<16xi32>,
    tpu.vector_store %arg5[%swap3A_173], %broadcast_in_dim3A_3 {strides = array<i32>} : memref<2048xi32, #tpu.memory_space<vmem>>, vector<16xi32>,
    %swap3A_175 = arith.constant 1376 : index
    %swap3A_176 = tpu.vector_load %arg5[%swap3A_175] {strides = array<i32>} : memref<2048xi32, #tpu.memory_space<vmem>>, vector<16xi32>,
    tpu.vector_store %arg5[%swap3A_175], %broadcast_in_dim3A_3 {strides = array<i32>} : memref<2048xi32, #tpu.memory_space<vmem>>, vector<16xi32>,
    %swap3A_177 = arith.constant 1392 : index
    %swap3A_178 = tpu.vector_load %arg5[%swap3A_177] {strides = array<i32>} : memref<2048xi32, #tpu.memory_space<vmem>>, vector<16xi32>,
    tpu.vector_store %arg5[%swap3A_177], %broadcast_in_dim3A_3 {strides = array<i32>} : memref<2048xi32, #tpu.memory_space<vmem>>, vector<16xi32>,
    %swap3A_179 = arith.constant 1408 : index
    %swap3A_180 = tpu.vector_load %arg5[%swap3A_179] {strides = array<i32>} : memref<2048xi32, #tpu.memory_space<vmem>>, vector<16xi32>,
    tpu.vector_store %arg5[%swap3A_179], %broadcast_in_dim3A_3 {strides = array<i32>} : memref<2048xi32, #tpu.memory_space<vmem>>, vector<16xi32>,
    %swap3A_181 = arith.constant 1424 : index
    %swap3A_182 = tpu.vector_load %arg5[%swap3A_181] {strides = array<i32>} : memref<2048xi32, #tpu.memory_space<vmem>>, vector<16xi32>,
    tpu.vector_store %arg5[%swap3A_181], %broadcast_in_dim3A_3 {strides = array<i32>} : memref<2048xi32, #tpu.memory_space<vmem>>, vector<16xi32>,
    %swap3A_183 = arith.constant 1440 : index
    %swap3A_184 = tpu.vector_load %arg5[%swap3A_183] {strides = array<i32>} : memref<2048xi32, #tpu.memory_space<vmem>>, vector<16xi32>,
    tpu.vector_store %arg5[%swap3A_183], %broadcast_in_dim3A_3 {strides = array<i32>} : memref<2048xi32, #tpu.memory_space<vmem>>, vector<16xi32>,
    %swap3A_185 = arith.constant 1456 : index
    %swap3A_186 = tpu.vector_load %arg5[%swap3A_185] {strides = array<i32>} : memref<2048xi32, #tpu.memory_space<vmem>>, vector<16xi32>,
    tpu.vector_store %arg5[%swap3A_185], %broadcast_in_dim3A_3 {strides = array<i32>} : memref<2048xi32, #tpu.memory_space<vmem>>, vector<16xi32>,
    %swap3A_187 = arith.constant 1472 : index
    %swap3A_188 = tpu.vector_load %arg5[%swap3A_187] {strides = array<i32>} : memref<2048xi32, #tpu.memory_space<vmem>>, vector<16xi32>,
    tpu.vector_store %arg5[%swap3A_187], %broadcast_in_dim3A_3 {strides = array<i32>} : memref<2048xi32, #tpu.memory_space<vmem>>, vector<16xi32>,
    %swap3A_189 = arith.constant 1488 : index
    %swap3A_190 = tpu.vector_load %arg5[%swap3A_189] {strides = array<i32>} : memref<2048xi32, #tpu.memory_space<vmem>>, vector<16xi32>,
    tpu.vector_store %arg5[%swap3A_189], %broadcast_in_dim3A_3 {strides = array<i32>} : memref<2048xi32, #tpu.memory_space<vmem>>, vector<16xi32>,
    %swap3A_191 = arith.constant 1504 : index
    %swap3A_192 = tpu.vector_load %arg5[%swap3A_191] {strides = array<i32>} : memref<2048xi32, #tpu.memory_space<vmem>>, vector<16xi32>,
    tpu.vector_store %arg5[%swap3A_191], %broadcast_in_dim3A_3 {strides = array<i32>} : memref<2048xi32, #tpu.memory_space<vmem>>, vector<16xi32>,
    %swap3A_193 = arith.constant 1520 : index
    %swap3A_194 = tpu.vector_load %arg5[%swap3A_193] {strides = array<i32>} : memref<2048xi32, #tpu.memory_space<vmem>>, vector<16xi32>,
    tpu.vector_store %arg5[%swap3A_193], %broadcast_in_dim3A_3 {strides = array<i32>} : memref<2048xi32, #tpu.memory_space<vmem>>, vector<16xi32>,
    %swap3A_195 = arith.constant 1536 : index
    %swap3A_196 = tpu.vector_load %arg5[%swap3A_195] {strides = array<i32>} : memref<2048xi32, #tpu.memory_space<vmem>>, vector<16xi32>,
    tpu.vector_store %arg5[%swap3A_195], %broadcast_in_dim3A_3 {strides = array<i32>} : memref<2048xi32, #tpu.memory_space<vmem>>, vector<16xi32>,
    %swap3A_197 = arith.constant 1552 : index
    %swap3A_198 = tpu.vector_load %arg5[%swap3A_197] {strides = array<i32>} : memref<2048xi32, #tpu.memory_space<vmem>>, vector<16xi32>,
    tpu.vector_store %arg5[%swap3A_197], %broadcast_in_dim3A_3 {strides = array<i32>} : memref<2048xi32, #tpu.memory_space<vmem>>, vector<16xi32>,
    %swap3A_199 = arith.constant 1568 : index
    %swap3A_200 = tpu.vector_load %arg5[%swap3A_199] {strides = array<i32>} : memref<2048xi32, #tpu.memory_space<vmem>>, vector<16xi32>,
    tpu.vector_store %arg5[%swap3A_199], %broadcast_in_dim3A_3 {strides = array<i32>} : memref<2048xi32, #tpu.memory_space<vmem>>, vector<16xi32>,
    %swap3A_201 = arith.constant 1584 : index
    %swap3A_202 = tpu.vector_load %arg5[%swap3A_201] {strides = array<i32>} : memref<2048xi32, #tpu.memory_space<vmem>>, vector<16xi32>,
    tpu.vector_store %arg5[%swap3A_201], %broadcast_in_dim3A_3 {strides = array<i32>} : memref<2048xi32, #tpu.memory_space<vmem>>, vector<16xi32>,
    %swap3A_203 = arith.constant 1600 : index
    %swap3A_204 = tpu.vector_load %arg5[%swap3A_203] {strides = array<i32>} : memref<2048xi32, #tpu.memory_space<vmem>>, vector<16xi32>,
    tpu.vector_store %arg5[%swap3A_203], %broadcast_in_dim3A_3 {strides = array<i32>} : memref<2048xi32, #tpu.memory_space<vmem>>, vector<16xi32>,
    %swap3A_205 = arith.constant 1616 : index
    %swap3A_206 = tpu.vector_load %arg5[%swap3A_205] {strides = array<i32>} : memref<2048xi32, #tpu.memory_space<vmem>>, vector<16xi32>,
    tpu.vector_store %arg5[%swap3A_205], %broadcast_in_dim3A_3 {strides = array<i32>} : memref<2048xi32, #tpu.memory_space<vmem>>, vector<16xi32>,
    %swap3A_207 = arith.constant 1632 : index
    %swap3A_208 = tpu.vector_load %arg5[%swap3A_207] {strides = array<i32>} : memref<2048xi32, #tpu.memory_space<vmem>>, vector<16xi32>,
    tpu.vector_store %arg5[%swap3A_207], %broadcast_in_dim3A_3 {strides = array<i32>} : memref<2048xi32, #tpu.memory_space<vmem>>, vector<16xi32>,
    %swap3A_209 = arith.constant 1648 : index
    %swap3A_210 = tpu.vector_load %arg5[%swap3A_209] {strides = array<i32>} : memref<2048xi32, #tpu.memory_space<vmem>>, vector<16xi32>,
    tpu.vector_store %arg5[%swap3A_209], %broadcast_in_dim3A_3 {strides = array<i32>} : memref<2048xi32, #tpu.memory_space<vmem>>, vector<16xi32>,
    %swap3A_211 = arith.constant 1664 : index
    %swap3A_212 = tpu.vector_load %arg5[%swap3A_211] {strides = array<i32>} : memref<2048xi32, #tpu.memory_space<vmem>>, vector<16xi32>,
    tpu.vector_store %arg5[%swap3A_211], %broadcast_in_dim3A_3 {strides = array<i32>} : memref<2048xi32, #tpu.memory_space<vmem>>, vector<16xi32>,
    %swap3A_213 = arith.constant 1680 : index
    %swap3A_214 = tpu.vector_load %arg5[%swap3A_213] {strides = array<i32>} : memref<2048xi32, #tpu.memory_space<vmem>>, vector<16xi32>,
    tpu.vector_store %arg5[%swap3A_213], %broadcast_in_dim3A_3 {strides = array<i32>} : memref<2048xi32, #tpu.memory_space<vmem>>, vector<16xi32>,
    %swap3A_215 = arith.constant 1696 : index
    %swap3A_216 = tpu.vector_load %arg5[%swap3A_215] {strides = array<i32>} : memref<2048xi32, #tpu.memory_space<vmem>>, vector<16xi32>,
    tpu.vector_store %arg5[%swap3A_215], %broadcast_in_dim3A_3 {strides = array<i32>} : memref<2048xi32, #tpu.memory_space<vmem>>, vector<16xi32>,
    %swap3A_217 = arith.constant 1712 : index
    %swap3A_218 = tpu.vector_load %arg5[%swap3A_217] {strides = array<i32>} : memref<2048xi32, #tpu.memory_space<vmem>>, vector<16xi32>,
    tpu.vector_store %arg5[%swap3A_217], %broadcast_in_dim3A_3 {strides = array<i32>} : memref<2048xi32, #tpu.memory_space<vmem>>, vector<16xi32>,
    %swap3A_219 = arith.constant 1728 : index
    %swap3A_220 = tpu.vector_load %arg5[%swap3A_219] {strides = array<i32>} : memref<2048xi32, #tpu.memory_space<vmem>>, vector<16xi32>,
    tpu.vector_store %arg5[%swap3A_219], %broadcast_in_dim3A_3 {strides = array<i32>} : memref<2048xi32, #tpu.memory_space<vmem>>, vector<16xi32>,
    %swap3A_221 = arith.constant 1744 : index
    %swap3A_222 = tpu.vector_load %arg5[%swap3A_221] {strides = array<i32>} : memref<2048xi32, #tpu.memory_space<vmem>>, vector<16xi32>,
    tpu.vector_store %arg5[%swap3A_221], %broadcast_in_dim3A_3 {strides = array<i32>} : memref<2048xi32, #tpu.memory_space<vmem>>, vector<16xi32>,
    %swap3A_223 = arith.constant 1760 : index
    %swap3A_224 = tpu.vector_load %arg5[%swap3A_223] {strides = array<i32>} : memref<2048xi32, #tpu.memory_space<vmem>>, vector<16xi32>,
    tpu.vector_store %arg5[%swap3A_223], %broadcast_in_dim3A_3 {strides = array<i32>} : memref<2048xi32, #tpu.memory_space<vmem>>, vector<16xi32>,
    %swap3A_225 = arith.constant 1776 : index
    %swap3A_226 = tpu.vector_load %arg5[%swap3A_225] {strides = array<i32>} : memref<2048xi32, #tpu.memory_space<vmem>>, vector<16xi32>,
    tpu.vector_store %arg5[%swap3A_225], %broadcast_in_dim3A_3 {strides = array<i32>} : memref<2048xi32, #tpu.memory_space<vmem>>, vector<16xi32>,
    %swap3A_227 = arith.constant 1792 : index
    %swap3A_228 = tpu.vector_load %arg5[%swap3A_227] {strides = array<i32>} : memref<2048xi32, #tpu.memory_space<vmem>>, vector<16xi32>,
    tpu.vector_store %arg5[%swap3A_227], %broadcast_in_dim3A_3 {strides = array<i32>} : memref<2048xi32, #tpu.memory_space<vmem>>, vector<16xi32>,
    %swap3A_229 = arith.constant 1808 : index
    %swap3A_230 = tpu.vector_load %arg5[%swap3A_229] {strides = array<i32>} : memref<2048xi32, #tpu.memory_space<vmem>>, vector<16xi32>,
    tpu.vector_store %arg5[%swap3A_229], %broadcast_in_dim3A_3 {strides = array<i32>} : memref<2048xi32, #tpu.memory_space<vmem>>, vector<16xi32>,
    %swap3A_231 = arith.constant 1824 : index
    %swap3A_232 = tpu.vector_load %arg5[%swap3A_231] {strides = array<i32>} : memref<2048xi32, #tpu.memory_space<vmem>>, vector<16xi32>,
    tpu.vector_store %arg5[%swap3A_231], %broadcast_in_dim3A_3 {strides = array<i32>} : memref<2048xi32, #tpu.memory_space<vmem>>, vector<16xi32>,
    %swap3A_233 = arith.constant 1840 : index
    %swap3A_234 = tpu.vector_load %arg5[%swap3A_233] {strides = array<i32>} : memref<2048xi32, #tpu.memory_space<vmem>>, vector<16xi32>,
    tpu.vector_store %arg5[%swap3A_233], %broadcast_in_dim3A_3 {strides = array<i32>} : memref<2048xi32, #tpu.memory_space<vmem>>, vector<16xi32>,
    %swap3A_235 = arith.constant 1856 : index
    %swap3A_236 = tpu.vector_load %arg5[%swap3A_235] {strides = array<i32>} : memref<2048xi32, #tpu.memory_space<vmem>>, vector<16xi32>,
    tpu.vector_store %arg5[%swap3A_235], %broadcast_in_dim3A_3 {strides = array<i32>} : memref<2048xi32, #tpu.memory_space<vmem>>, vector<16xi32>,
    %swap3A_237 = arith.constant 1872 : index
    %swap3A_238 = tpu.vector_load %arg5[%swap3A_237] {strides = array<i32>} : memref<2048xi32, #tpu.memory_space<vmem>>, vector<16xi32>,
    tpu.vector_store %arg5[%swap3A_237], %broadcast_in_dim3A_3 {strides = array<i32>} : memref<2048xi32, #tpu.memory_space<vmem>>, vector<16xi32>,
    %swap3A_239 = arith.constant 1888 : index
    %swap3A_240 = tpu.vector_load %arg5[%swap3A_239] {strides = array<i32>} : memref<2048xi32, #tpu.memory_space<vmem>>, vector<16xi32>,
    tpu.vector_store %arg5[%swap3A_239], %broadcast_in_dim3A_3 {strides = array<i32>} : memref<2048xi32, #tpu.memory_space<vmem>>, vector<16xi32>,
    %swap3A_241 = arith.constant 1904 : index
    %swap3A_242 = tpu.vector_load %arg5[%swap3A_241] {strides = array<i32>} : memref<2048xi32, #tpu.memory_space<vmem>>, vector<16xi32>,
    tpu.vector_store %arg5[%swap3A_241], %broadcast_in_dim3A_3 {strides = array<i32>} : memref<2048xi32, #tpu.memory_space<vmem>>, vector<16xi32>,
    %swap3A_243 = arith.constant 1920 : index
    %swap3A_244 = tpu.vector_load %arg5[%swap3A_243] {strides = array<i32>} : memref<2048xi32, #tpu.memory_space<vmem>>, vector<16xi32>,
    tpu.vector_store %arg5[%swap3A_243], %broadcast_in_dim3A_3 {strides = array<i32>} : memref<2048xi32, #tpu.memory_space<vmem>>, vector<16xi32>,
    %swap3A_245 = arith.constant 1936 : index
    %swap3A_246 = tpu.vector_load %arg5[%swap3A_245] {strides = array<i32>} : memref<2048xi32, #tpu.memory_space<vmem>>, vector<16xi32>,
    tpu.vector_store %arg5[%swap3A_245], %broadcast_in_dim3A_3 {strides = array<i32>} : memref<2048xi32, #tpu.memory_space<vmem>>, vector<16xi32>,
    %swap3A_247 = arith.constant 1952 : index
    %swap3A_248 = tpu.vector_load %arg5[%swap3A_247] {strides = array<i32>} : memref<2048xi32, #tpu.memory_space<vmem>>, vector<16xi32>,
    tpu.vector_store %arg5[%swap3A_247], %broadcast_in_dim3A_3 {strides = array<i32>} : memref<2048xi32, #tpu.memory_space<vmem>>, vector<16xi32>,
    %swap3A_249 = arith.constant 1968 : index
    %swap3A_250 = tpu.vector_load %arg5[%swap3A_249] {strides = array<i32>} : memref<2048xi32, #tpu.memory_space<vmem>>, vector<16xi32>,
    tpu.vector_store %arg5[%swap3A_249], %broadcast_in_dim3A_3 {strides = array<i32>} : memref<2048xi32, #tpu.memory_space<vmem>>, vector<16xi32>,
    %swap3A_251 = arith.constant 1984 : index
    %swap3A_252 = tpu.vector_load %arg5[%swap3A_251] {strides = array<i32>} : memref<2048xi32, #tpu.memory_space<vmem>>, vector<16xi32>,
    tpu.vector_store %arg5[%swap3A_251], %broadcast_in_dim3A_3 {strides = array<i32>} : memref<2048xi32, #tpu.memory_space<vmem>>, vector<16xi32>,
    %swap3A_253 = arith.constant 2000 : index
    %swap3A_254 = tpu.vector_load %arg5[%swap3A_253] {strides = array<i32>} : memref<2048xi32, #tpu.memory_space<vmem>>, vector<16xi32>,
    tpu.vector_store %arg5[%swap3A_253], %broadcast_in_dim3A_3 {strides = array<i32>} : memref<2048xi32, #tpu.memory_space<vmem>>, vector<16xi32>,
    %swap3A_255 = arith.constant 2016 : index
    %swap3A_256 = tpu.vector_load %arg5[%swap3A_255] {strides = array<i32>} : memref<2048xi32, #tpu.memory_space<vmem>>, vector<16xi32>,
    tpu.vector_store %arg5[%swap3A_255], %broadcast_in_dim3A_3 {strides = array<i32>} : memref<2048xi32, #tpu.memory_space<vmem>>, vector<16xi32>,
    %swap3A_257 = arith.constant 2032 : index
    %swap3A_258 = tpu.vector_load %arg5[%swap3A_257] {strides = array<i32>} : memref<2048xi32, #tpu.memory_space<vmem>>, vector<16xi32>,
    tpu.vector_store %arg5[%swap3A_257], %broadcast_in_dim3A_3 {strides = array<i32>} : memref<2048xi32, #tpu.memory_space<vmem>>, vector<16xi32>,
    %broadcast_in_dim3A_259 = arith.constant 0 : i32
    %broadcast_in_dim3A_260 = vector.broadcast %broadcast_in_dim3A_259 : i32 to vector<16xi32>
    %get3A = arith.constant 0 : i32
    %get3A_261 = arith.index_cast %get3A : i32 to index
    %get3A_262 = arith.constant 0 : index
    %get3A_263 = tpu.vector_load %arg4[%get3A_261, %get3A_262] {strides = array<i32>} : memref<4x128xi32, #tpu.memory_space<vmem>>, vector<16xi32>,
    %add3A_264 = arith.constant 0 : i32
    %add3A_265 = vector.broadcast %add3A_264 : i32 to vector<16xi32>
    %add3A_266 = arith.addi %get3A_263, %add3A_265 : vector<16xi32>
    tpu.vector_store_idx %arg5[%add3A_266], %broadcast_in_dim3A_260 : memref<2048xi32, #tpu.memory_space<vmem>>[vector<16xi32>], vector<16xi32>,
    %get3A_267 = arith.constant 0 : i32
    %get3A_268 = arith.index_cast %get3A_267 : i32 to index
    %get3A_269 = arith.constant 16 : index
    %get3A_270 = tpu.vector_load %arg4[%get3A_268, %get3A_269] {strides = array<i32>} : memref<4x128xi32, #tpu.memory_space<vmem>>, vector<16xi32>,
    %add3A_271 = arith.constant 0 : i32
    %add3A_272 = vector.broadcast %add3A_271 : i32 to vector<16xi32>
    %add3A_273 = arith.addi %get3A_270, %add3A_272 : vector<16xi32>
    tpu.vector_store_idx %arg5[%add3A_273], %broadcast_in_dim3A_260 : memref<2048xi32, #tpu.memory_space<vmem>>[vector<16xi32>], vector<16xi32>,
    %get3A_274 = arith.constant 0 : i32
    %get3A_275 = arith.index_cast %get3A_274 : i32 to index
    %get3A_276 = arith.constant 32 : index
    %get3A_277 = tpu.vector_load %arg4[%get3A_275, %get3A_276] {strides = array<i32>} : memref<4x128xi32, #tpu.memory_space<vmem>>, vector<16xi32>,
    %add3A_278 = arith.constant 0 : i32
    %add3A_279 = vector.broadcast %add3A_278 : i32 to vector<16xi32>
    %add3A_280 = arith.addi %get3A_277, %add3A_279 : vector<16xi32>
    tpu.vector_store_idx %arg5[%add3A_280], %broadcast_in_dim3A_260 : memref<2048xi32, #tpu.memory_space<vmem>>[vector<16xi32>], vector<16xi32>,
    %get3A_281 = arith.constant 0 : i32
    %get3A_282 = arith.index_cast %get3A_281 : i32 to index
    %get3A_283 = arith.constant 48 : index
    %get3A_284 = tpu.vector_load %arg4[%get3A_282, %get3A_283] {strides = array<i32>} : memref<4x128xi32, #tpu.memory_space<vmem>>, vector<16xi32>,
    %add3A_285 = arith.constant 0 : i32
    %add3A_286 = vector.broadcast %add3A_285 : i32 to vector<16xi32>
    %add3A_287 = arith.addi %get3A_284, %add3A_286 : vector<16xi32>
    tpu.vector_store_idx %arg5[%add3A_287], %broadcast_in_dim3A_260 : memref<2048xi32, #tpu.memory_space<vmem>>[vector<16xi32>], vector<16xi32>,
    %get3A_288 = arith.constant 0 : i32
    %get3A_289 = arith.index_cast %get3A_288 : i32 to index
    %get3A_290 = arith.constant 64 : index
    %get3A_291 = tpu.vector_load %arg4[%get3A_289, %get3A_290] {strides = array<i32>} : memref<4x128xi32, #tpu.memory_space<vmem>>, vector<16xi32>,
    %add3A_292 = arith.constant 0 : i32
    %add3A_293 = vector.broadcast %add3A_292 : i32 to vector<16xi32>
    %add3A_294 = arith.addi %get3A_291, %add3A_293 : vector<16xi32>
    tpu.vector_store_idx %arg5[%add3A_294], %broadcast_in_dim3A_260 : memref<2048xi32, #tpu.memory_space<vmem>>[vector<16xi32>], vector<16xi32>,
    %get3A_295 = arith.constant 0 : i32
    %get3A_296 = arith.index_cast %get3A_295 : i32 to index
    %get3A_297 = arith.constant 80 : index
    %get3A_298 = tpu.vector_load %arg4[%get3A_296, %get3A_297] {strides = array<i32>} : memref<4x128xi32, #tpu.memory_space<vmem>>, vector<16xi32>,
    %add3A_299 = arith.constant 0 : i32
    %add3A_300 = vector.broadcast %add3A_299 : i32 to vector<16xi32>
    %add3A_301 = arith.addi %get3A_298, %add3A_300 : vector<16xi32>
    tpu.vector_store_idx %arg5[%add3A_301], %broadcast_in_dim3A_260 : memref<2048xi32, #tpu.memory_space<vmem>>[vector<16xi32>], vector<16xi32>,
    %get3A_302 = arith.constant 0 : i32
    %get3A_303 = arith.index_cast %get3A_302 : i32 to index
    %get3A_304 = arith.constant 96 : index
    %get3A_305 = tpu.vector_load %arg4[%get3A_303, %get3A_304] {strides = array<i32>} : memref<4x128xi32, #tpu.memory_space<vmem>>, vector<16xi32>,
    %add3A_306 = arith.constant 0 : i32
    %add3A_307 = vector.broadcast %add3A_306 : i32 to vector<16xi32>
    %add3A_308 = arith.addi %get3A_305, %add3A_307 : vector<16xi32>
    tpu.vector_store_idx %arg5[%add3A_308], %broadcast_in_dim3A_260 : memref<2048xi32, #tpu.memory_space<vmem>>[vector<16xi32>], vector<16xi32>,
    %get3A_309 = arith.constant 0 : i32
    %get3A_310 = arith.index_cast %get3A_309 : i32 to index
    %get3A_311 = arith.constant 112 : index
    %get3A_312 = tpu.vector_load %arg4[%get3A_310, %get3A_311] {strides = array<i32>} : memref<4x128xi32, #tpu.memory_space<vmem>>, vector<16xi32>,
    %add3A_313 = arith.constant 0 : i32
    %add3A_314 = vector.broadcast %add3A_313 : i32 to vector<16xi32>
    %add3A_315 = arith.addi %get3A_312, %add3A_314 : vector<16xi32>
    tpu.vector_store_idx %arg5[%add3A_315], %broadcast_in_dim3A_260 : memref<2048xi32, #tpu.memory_space<vmem>>[vector<16xi32>], vector<16xi32>,
    %get3A_316 = arith.constant 1 : i32
    %get3A_317 = arith.index_cast %get3A_316 : i32 to index
    %get3A_318 = arith.constant 0 : index
    %get3A_319 = tpu.vector_load %arg4[%get3A_317, %get3A_318] {strides = array<i32>} : memref<4x128xi32, #tpu.memory_space<vmem>>, vector<16xi32>,
    %add3A_320 = arith.constant 0 : i32
    %add3A_321 = vector.broadcast %add3A_320 : i32 to vector<16xi32>
    %add3A_322 = arith.addi %get3A_319, %add3A_321 : vector<16xi32>
    tpu.vector_store_idx %arg5[%add3A_322], %broadcast_in_dim3A_260 : memref<2048xi32, #tpu.memory_space<vmem>>[vector<16xi32>], vector<16xi32>,
    %get3A_323 = arith.constant 1 : i32
    %get3A_324 = arith.index_cast %get3A_323 : i32 to index
    %get3A_325 = arith.constant 16 : index
    %get3A_326 = tpu.vector_load %arg4[%get3A_324, %get3A_325] {strides = array<i32>} : memref<4x128xi32, #tpu.memory_space<vmem>>, vector<16xi32>,
    %add3A_327 = arith.constant 0 : i32
    %add3A_328 = vector.broadcast %add3A_327 : i32 to vector<16xi32>
    %add3A_329 = arith.addi %get3A_326, %add3A_328 : vector<16xi32>
    tpu.vector_store_idx %arg5[%add3A_329], %broadcast_in_dim3A_260 : memref<2048xi32, #tpu.memory_space<vmem>>[vector<16xi32>], vector<16xi32>,
    %get3A_330 = arith.constant 1 : i32
    %get3A_331 = arith.index_cast %get3A_330 : i32 to index
    %get3A_332 = arith.constant 32 : index
    %get3A_333 = tpu.vector_load %arg4[%get3A_331, %get3A_332] {strides = array<i32>} : memref<4x128xi32, #tpu.memory_space<vmem>>, vector<16xi32>,
    %add3A_334 = arith.constant 0 : i32
    %add3A_335 = vector.broadcast %add3A_334 : i32 to vector<16xi32>
    %add3A_336 = arith.addi %get3A_333, %add3A_335 : vector<16xi32>
    tpu.vector_store_idx %arg5[%add3A_336], %broadcast_in_dim3A_260 : memref<2048xi32, #tpu.memory_space<vmem>>[vector<16xi32>], vector<16xi32>,
    %get3A_337 = arith.constant 1 : i32
    %get3A_338 = arith.index_cast %get3A_337 : i32 to index
    %get3A_339 = arith.constant 48 : index
    %get3A_340 = tpu.vector_load %arg4[%get3A_338, %get3A_339] {strides = array<i32>} : memref<4x128xi32, #tpu.memory_space<vmem>>, vector<16xi32>,
    %add3A_341 = arith.constant 0 : i32
    %add3A_342 = vector.broadcast %add3A_341 : i32 to vector<16xi32>
    %add3A_343 = arith.addi %get3A_340, %add3A_342 : vector<16xi32>
    tpu.vector_store_idx %arg5[%add3A_343], %broadcast_in_dim3A_260 : memref<2048xi32, #tpu.memory_space<vmem>>[vector<16xi32>], vector<16xi32>,
    %get3A_344 = arith.constant 1 : i32
    %get3A_345 = arith.index_cast %get3A_344 : i32 to index
    %get3A_346 = arith.constant 64 : index
    %get3A_347 = tpu.vector_load %arg4[%get3A_345, %get3A_346] {strides = array<i32>} : memref<4x128xi32, #tpu.memory_space<vmem>>, vector<16xi32>,
    %add3A_348 = arith.constant 0 : i32
    %add3A_349 = vector.broadcast %add3A_348 : i32 to vector<16xi32>
    %add3A_350 = arith.addi %get3A_347, %add3A_349 : vector<16xi32>
    tpu.vector_store_idx %arg5[%add3A_350], %broadcast_in_dim3A_260 : memref<2048xi32, #tpu.memory_space<vmem>>[vector<16xi32>], vector<16xi32>,
    %get3A_351 = arith.constant 1 : i32
    %get3A_352 = arith.index_cast %get3A_351 : i32 to index
    %get3A_353 = arith.constant 80 : index
    %get3A_354 = tpu.vector_load %arg4[%get3A_352, %get3A_353] {strides = array<i32>} : memref<4x128xi32, #tpu.memory_space<vmem>>, vector<16xi32>,
    %add3A_355 = arith.constant 0 : i32
    %add3A_356 = vector.broadcast %add3A_355 : i32 to vector<16xi32>
    %add3A_357 = arith.addi %get3A_354, %add3A_356 : vector<16xi32>
    tpu.vector_store_idx %arg5[%add3A_357], %broadcast_in_dim3A_260 : memref<2048xi32, #tpu.memory_space<vmem>>[vector<16xi32>], vector<16xi32>,
    %get3A_358 = arith.constant 1 : i32
    %get3A_359 = arith.index_cast %get3A_358 : i32 to index
    %get3A_360 = arith.constant 96 : index
    %get3A_361 = tpu.vector_load %arg4[%get3A_359, %get3A_360] {strides = array<i32>} : memref<4x128xi32, #tpu.memory_space<vmem>>, vector<16xi32>,
    %add3A_362 = arith.constant 0 : i32
    %add3A_363 = vector.broadcast %add3A_362 : i32 to vector<16xi32>
    %add3A_364 = arith.addi %get3A_361, %add3A_363 : vector<16xi32>
    tpu.vector_store_idx %arg5[%add3A_364], %broadcast_in_dim3A_260 : memref<2048xi32, #tpu.memory_space<vmem>>[vector<16xi32>], vector<16xi32>,
    %get3A_365 = arith.constant 1 : i32
    %get3A_366 = arith.index_cast %get3A_365 : i32 to index
    %get3A_367 = arith.constant 112 : index
    %get3A_368 = tpu.vector_load %arg4[%get3A_366, %get3A_367] {strides = array<i32>} : memref<4x128xi32, #tpu.memory_space<vmem>>, vector<16xi32>,
    %add3A_369 = arith.constant 0 : i32
    %add3A_370 = vector.broadcast %add3A_369 : i32 to vector<16xi32>
    %add3A_371 = arith.addi %get3A_368, %add3A_370 : vector<16xi32>
    tpu.vector_store_idx %arg5[%add3A_371], %broadcast_in_dim3A_260 : memref<2048xi32, #tpu.memory_space<vmem>>[vector<16xi32>], vector<16xi32>,
    %get3A_372 = arith.constant 2 : i32
    %get3A_373 = arith.index_cast %get3A_372 : i32 to index
    %get3A_374 = arith.constant 0 : index
    %get3A_375 = tpu.vector_load %arg4[%get3A_373, %get3A_374] {strides = array<i32>} : memref<4x128xi32, #tpu.memory_space<vmem>>, vector<16xi32>,
    %add3A_376 = arith.constant 1024 : i32
    %add3A_377 = vector.broadcast %add3A_376 : i32 to vector<16xi32>
    %add3A_378 = arith.addi %get3A_375, %add3A_377 : vector<16xi32>
    tpu.vector_store_idx %arg5[%add3A_378], %broadcast_in_dim3A_260 : memref<2048xi32, #tpu.memory_space<vmem>>[vector<16xi32>], vector<16xi32>,
    %get3A_379 = arith.constant 2 : i32
    %get3A_380 = arith.index_cast %get3A_379 : i32 to index
    %get3A_381 = arith.constant 16 : index
    %get3A_382 = tpu.vector_load %arg4[%get3A_380, %get3A_381] {strides = array<i32>} : memref<4x128xi32, #tpu.memory_space<vmem>>, vector<16xi32>,
    %add3A_383 = arith.constant 1024 : i32
    %add3A_384 = vector.broadcast %add3A_383 : i32 to vector<16xi32>
    %add3A_385 = arith.addi %get3A_382, %add3A_384 : vector<16xi32>
    tpu.vector_store_idx %arg5[%add3A_385], %broadcast_in_dim3A_260 : memref<2048xi32, #tpu.memory_space<vmem>>[vector<16xi32>], vector<16xi32>,
    %get3A_386 = arith.constant 2 : i32
    %get3A_387 = arith.index_cast %get3A_386 : i32 to index
    %get3A_388 = arith.constant 32 : index
    %get3A_389 = tpu.vector_load %arg4[%get3A_387, %get3A_388] {strides = array<i32>} : memref<4x128xi32, #tpu.memory_space<vmem>>, vector<16xi32>,
    %add3A_390 = arith.constant 1024 : i32
    %add3A_391 = vector.broadcast %add3A_390 : i32 to vector<16xi32>
    %add3A_392 = arith.addi %get3A_389, %add3A_391 : vector<16xi32>
    tpu.vector_store_idx %arg5[%add3A_392], %broadcast_in_dim3A_260 : memref<2048xi32, #tpu.memory_space<vmem>>[vector<16xi32>], vector<16xi32>,
    %get3A_393 = arith.constant 2 : i32
    %get3A_394 = arith.index_cast %get3A_393 : i32 to index
    %get3A_395 = arith.constant 48 : index
    %get3A_396 = tpu.vector_load %arg4[%get3A_394, %get3A_395] {strides = array<i32>} : memref<4x128xi32, #tpu.memory_space<vmem>>, vector<16xi32>,
    %add3A_397 = arith.constant 1024 : i32
    %add3A_398 = vector.broadcast %add3A_397 : i32 to vector<16xi32>
    %add3A_399 = arith.addi %get3A_396, %add3A_398 : vector<16xi32>
    tpu.vector_store_idx %arg5[%add3A_399], %broadcast_in_dim3A_260 : memref<2048xi32, #tpu.memory_space<vmem>>[vector<16xi32>], vector<16xi32>,
    %get3A_400 = arith.constant 2 : i32
    %get3A_401 = arith.index_cast %get3A_400 : i32 to index
    %get3A_402 = arith.constant 64 : index
    %get3A_403 = tpu.vector_load %arg4[%get3A_401, %get3A_402] {strides = array<i32>} : memref<4x128xi32, #tpu.memory_space<vmem>>, vector<16xi32>,
    %add3A_404 = arith.constant 1024 : i32
    %add3A_405 = vector.broadcast %add3A_404 : i32 to vector<16xi32>
    %add3A_406 = arith.addi %get3A_403, %add3A_405 : vector<16xi32>
    tpu.vector_store_idx %arg5[%add3A_406], %broadcast_in_dim3A_260 : memref<2048xi32, #tpu.memory_space<vmem>>[vector<16xi32>], vector<16xi32>,
    %get3A_407 = arith.constant 2 : i32
    %get3A_408 = arith.index_cast %get3A_407 : i32 to index
    %get3A_409 = arith.constant 80 : index
    %get3A_410 = tpu.vector_load %arg4[%get3A_408, %get3A_409] {strides = array<i32>} : memref<4x128xi32, #tpu.memory_space<vmem>>, vector<16xi32>,
    %add3A_411 = arith.constant 1024 : i32
    %add3A_412 = vector.broadcast %add3A_411 : i32 to vector<16xi32>
    %add3A_413 = arith.addi %get3A_410, %add3A_412 : vector<16xi32>
    tpu.vector_store_idx %arg5[%add3A_413], %broadcast_in_dim3A_260 : memref<2048xi32, #tpu.memory_space<vmem>>[vector<16xi32>], vector<16xi32>,
    %get3A_414 = arith.constant 2 : i32
    %get3A_415 = arith.index_cast %get3A_414 : i32 to index
    %get3A_416 = arith.constant 96 : index
    %get3A_417 = tpu.vector_load %arg4[%get3A_415, %get3A_416] {strides = array<i32>} : memref<4x128xi32, #tpu.memory_space<vmem>>, vector<16xi32>,
    %add3A_418 = arith.constant 1024 : i32
    %add3A_419 = vector.broadcast %add3A_418 : i32 to vector<16xi32>
    %add3A_420 = arith.addi %get3A_417, %add3A_419 : vector<16xi32>
    tpu.vector_store_idx %arg5[%add3A_420], %broadcast_in_dim3A_260 : memref<2048xi32, #tpu.memory_space<vmem>>[vector<16xi32>], vector<16xi32>,
    %get3A_421 = arith.constant 2 : i32
    %get3A_422 = arith.index_cast %get3A_421 : i32 to index
    %get3A_423 = arith.constant 112 : index
    %get3A_424 = tpu.vector_load %arg4[%get3A_422, %get3A_423] {strides = array<i32>} : memref<4x128xi32, #tpu.memory_space<vmem>>, vector<16xi32>,
    %add3A_425 = arith.constant 1024 : i32
    %add3A_426 = vector.broadcast %add3A_425 : i32 to vector<16xi32>
    %add3A_427 = arith.addi %get3A_424, %add3A_426 : vector<16xi32>
    tpu.vector_store_idx %arg5[%add3A_427], %broadcast_in_dim3A_260 : memref<2048xi32, #tpu.memory_space<vmem>>[vector<16xi32>], vector<16xi32>,
    %get3A_428 = arith.constant 3 : i32
    %get3A_429 = arith.index_cast %get3A_428 : i32 to index
    %get3A_430 = arith.constant 0 : index
    %get3A_431 = tpu.vector_load %arg4[%get3A_429, %get3A_430] {strides = array<i32>} : memref<4x128xi32, #tpu.memory_space<vmem>>, vector<16xi32>,
    %add3A_432 = arith.constant 1024 : i32
    %add3A_433 = vector.broadcast %add3A_432 : i32 to vector<16xi32>
    %add3A_434 = arith.addi %get3A_431, %add3A_433 : vector<16xi32>
    tpu.vector_store_idx %arg5[%add3A_434], %broadcast_in_dim3A_260 : memref<2048xi32, #tpu.memory_space<vmem>>[vector<16xi32>], vector<16xi32>,
    %get3A_435 = arith.constant 3 : i32
    %get3A_436 = arith.index_cast %get3A_435 : i32 to index
    %get3A_437 = arith.constant 16 : index
    %get3A_438 = tpu.vector_load %arg4[%get3A_436, %get3A_437] {strides = array<i32>} : memref<4x128xi32, #tpu.memory_space<vmem>>, vector<16xi32>,
    %add3A_439 = arith.constant 1024 : i32
    %add3A_440 = vector.broadcast %add3A_439 : i32 to vector<16xi32>
    %add3A_441 = arith.addi %get3A_438, %add3A_440 : vector<16xi32>
    tpu.vector_store_idx %arg5[%add3A_441], %broadcast_in_dim3A_260 : memref<2048xi32, #tpu.memory_space<vmem>>[vector<16xi32>], vector<16xi32>,
    %get3A_442 = arith.constant 3 : i32
    %get3A_443 = arith.index_cast %get3A_442 : i32 to index
    %get3A_444 = arith.constant 32 : index
    %get3A_445 = tpu.vector_load %arg4[%get3A_443, %get3A_444] {strides = array<i32>} : memref<4x128xi32, #tpu.memory_space<vmem>>, vector<16xi32>,
    %add3A_446 = arith.constant 1024 : i32
    %add3A_447 = vector.broadcast %add3A_446 : i32 to vector<16xi32>
    %add3A_448 = arith.addi %get3A_445, %add3A_447 : vector<16xi32>
    tpu.vector_store_idx %arg5[%add3A_448], %broadcast_in_dim3A_260 : memref<2048xi32, #tpu.memory_space<vmem>>[vector<16xi32>], vector<16xi32>,
    %get3A_449 = arith.constant 3 : i32
    %get3A_450 = arith.index_cast %get3A_449 : i32 to index
    %get3A_451 = arith.constant 48 : index
    %get3A_452 = tpu.vector_load %arg4[%get3A_450, %get3A_451] {strides = array<i32>} : memref<4x128xi32, #tpu.memory_space<vmem>>, vector<16xi32>,
    %add3A_453 = arith.constant 1024 : i32
    %add3A_454 = vector.broadcast %add3A_453 : i32 to vector<16xi32>
    %add3A_455 = arith.addi %get3A_452, %add3A_454 : vector<16xi32>
    tpu.vector_store_idx %arg5[%add3A_455], %broadcast_in_dim3A_260 : memref<2048xi32, #tpu.memory_space<vmem>>[vector<16xi32>], vector<16xi32>,
    %get3A_456 = arith.constant 3 : i32
    %get3A_457 = arith.index_cast %get3A_456 : i32 to index
    %get3A_458 = arith.constant 64 : index
    %get3A_459 = tpu.vector_load %arg4[%get3A_457, %get3A_458] {strides = array<i32>} : memref<4x128xi32, #tpu.memory_space<vmem>>, vector<16xi32>,
    %add3A_460 = arith.constant 1024 : i32
    %add3A_461 = vector.broadcast %add3A_460 : i32 to vector<16xi32>
    %add3A_462 = arith.addi %get3A_459, %add3A_461 : vector<16xi32>
    tpu.vector_store_idx %arg5[%add3A_462], %broadcast_in_dim3A_260 : memref<2048xi32, #tpu.memory_space<vmem>>[vector<16xi32>], vector<16xi32>,
    %get3A_463 = arith.constant 3 : i32
    %get3A_464 = arith.index_cast %get3A_463 : i32 to index
    %get3A_465 = arith.constant 80 : index
    %get3A_466 = tpu.vector_load %arg4[%get3A_464, %get3A_465] {strides = array<i32>} : memref<4x128xi32, #tpu.memory_space<vmem>>, vector<16xi32>,
    %add3A_467 = arith.constant 1024 : i32
    %add3A_468 = vector.broadcast %add3A_467 : i32 to vector<16xi32>
    %add3A_469 = arith.addi %get3A_466, %add3A_468 : vector<16xi32>
    tpu.vector_store_idx %arg5[%add3A_469], %broadcast_in_dim3A_260 : memref<2048xi32, #tpu.memory_space<vmem>>[vector<16xi32>], vector<16xi32>,
    %get3A_470 = arith.constant 3 : i32
    %get3A_471 = arith.index_cast %get3A_470 : i32 to index
    %get3A_472 = arith.constant 96 : index
    %get3A_473 = tpu.vector_load %arg4[%get3A_471, %get3A_472] {strides = array<i32>} : memref<4x128xi32, #tpu.memory_space<vmem>>, vector<16xi32>,
    %add3A_474 = arith.constant 1024 : i32
    %add3A_475 = vector.broadcast %add3A_474 : i32 to vector<16xi32>
    %add3A_476 = arith.addi %get3A_473, %add3A_475 : vector<16xi32>
    tpu.vector_store_idx %arg5[%add3A_476], %broadcast_in_dim3A_260 : memref<2048xi32, #tpu.memory_space<vmem>>[vector<16xi32>], vector<16xi32>,
    %get3A_477 = arith.constant 3 : i32
    %get3A_478 = arith.index_cast %get3A_477 : i32 to index
    %get3A_479 = arith.constant 112 : index
    %get3A_480 = tpu.vector_load %arg4[%get3A_478, %get3A_479] {strides = array<i32>} : memref<4x128xi32, #tpu.memory_space<vmem>>, vector<16xi32>,
    %add3A_481 = arith.constant 1024 : i32
    %add3A_482 = vector.broadcast %add3A_481 : i32 to vector<16xi32>
    %add3A_483 = arith.addi %get3A_480, %add3A_482 : vector<16xi32>
    tpu.vector_store_idx %arg5[%add3A_483], %broadcast_in_dim3A_260 : memref<2048xi32, #tpu.memory_space<vmem>>[vector<16xi32>], vector<16xi32>,
    %mul3A_484 = arith.constant 2048 : i32
    %mul3A_485 = arith.muli %add3A, %mul3A_484 : i32
    "tpu.region"() ({
      %run_scoped3A = tpu.sem_alloc : memref<!tpu.dma_semaphore, #tpu.memory_space<semaphore_mem>>
      %dma_start3A = tpu.memref_slice %arg3[%mul3A_485] : memref<65536xi32, #tpu.memory_space<hbm>> -> memref<2048xi32, #tpu.memory_space<hbm>>
      %dma_start3A_486 = tpu.memref_slice %arg3[%mul3A_485] : memref<65536xi32, #tpu.memory_space<hbm>> -> memref<2048xi32, #tpu.memory_space<hbm>>
      tpu.enqueue_dma source(%arg5 : memref<2048xi32, #tpu.memory_space<vmem>>) target(%dma_start3A_486 : memref<2048xi32, #tpu.memory_space<hbm>>) target_semaphore(%run_scoped3A : memref<!tpu.dma_semaphore, #tpu.memory_space<semaphore_mem>>)
      %dma_wait3A = tpu.memref_slice %arg3[%mul3A_485] : memref<65536xi32, #tpu.memory_space<hbm>> -> memref<2048xi32, #tpu.memory_space<hbm>>
      %dma_wait3A_487 = tpu.memref_slice %arg3[%mul3A_485] : memref<65536xi32, #tpu.memory_space<hbm>> -> memref<2048xi32, #tpu.memory_space<hbm>>
      tpu.wait_dma2 semaphore(%run_scoped3A : memref<!tpu.dma_semaphore, #tpu.memory_space<semaphore_mem>>) src(%arg5 : memref<2048xi32, #tpu.memory_space<vmem>>) dst(%dma_wait3A_487 : memref<2048xi32, #tpu.memory_space<hbm>>)
      tpu.yield
    }) : () -> ()
    return
  }
}

module attributes {stable_mosaic.version = 14 : i64} {
  func.func @_tc_gather_body(%arg0: i32, %arg1: memref<16x192x1024xf32, #tpu.memory_space<vmem>>, %arg2: memref<16x1x256xi32, #tpu.memory_space<vmem>>, %arg3: memref<16x192x256xf32, #tpu.memory_space<vmem>>) attributes {dimension_semantics = [#tpu.dimension_semantics<arbitrary>], iteration_bounds = array<i64: 4>, scalar_prefetch = 0 : i64, scratch_operands = 0 : i64, tpu.core_type = #tpu.core_type<tc>, window_params = [{transform_indices = @transform_0, window_bounds = array<i64: 16, 192, 1024>}, {transform_indices = @transform_1, window_bounds = array<i64: 16, 1, 256>}, {transform_indices = @transform_2, window_bounds = array<i64: 16, 192, 256>}]} {
    %iota3A = tpu.iota {dimensions = array<i32: 0>} : vector<1024x256xi32>
    %get3A = arith.constant 0 : index
    %get3A_0 = arith.constant 0 : index
    %get3A_1 = arith.constant 0 : index
    %get3A_2 = vector.load %arg1[%get3A, %get3A_0, %get3A_1] : memref<16x192x1024xf32, #tpu.memory_space<vmem>>, vector<1x192x1024xf32>
    %get3A_3 = vector.shape_cast %get3A_2 : vector<1x192x1024xf32> to vector<192x1024xf32>
    %get3A_4 = arith.constant 0 : index
    %get3A_5 = arith.constant 0 : index
    %get3A_6 = arith.constant 0 : index
    %get3A_7 = vector.load %arg2[%get3A_4, %get3A_5, %get3A_6] : memref<16x1x256xi32, #tpu.memory_space<vmem>>, vector<1x1x256xi32>
    %get3A_8 = vector.shape_cast %get3A_7 : vector<1x1x256xi32> to vector<256xi32>
    %broadcast_in_dim3A = vector.shape_cast %get3A_8 : vector<256xi32> to vector<1x256xi32>
    %eq3A = vector.broadcast %broadcast_in_dim3A : vector<1x256xi32> to vector<1024x256xi32>
    %eq3A_9 = arith.cmpi eq, %iota3A, %eq3A : vector<1024x256xi32>
    %convert_element_type3A = arith.extui %eq3A_9 : vector<1024x256xi1> to vector<1024x256xi32>
    %convert_element_type3A_10 = arith.sitofp %convert_element_type3A : vector<1024x256xi32> to vector<1024x256xf32>
    %convert_element_type3A_11 = arith.truncf %convert_element_type3A_10 : vector<1024x256xf32> to vector<1024x256xbf16>
    %convert_element_type3A_12 = arith.truncf %get3A_3 : vector<192x1024xf32> to vector<192x1024xbf16>
    %dot_general3A = arith.constant dense<0.000000e+00> : vector<192x256xf32>
    %dot_general3A_13 = tpu.matmul %convert_element_type3A_12, %convert_element_type3A_11, %dot_general3A {dimension_numbers = #tpu.dot_dimension_numbers<[1], [0], [0], [1], [0, 0, 1, 1], [], []>, transpose_lhs_hint = false} : vector<192x1024xbf16>, vector<1024x256xbf16>, vector<192x256xf32> -> vector<192x256xf32>
    %swap3A = arith.constant 0 : index
    %swap3A_14 = arith.constant 0 : index
    %swap3A_15 = arith.constant 0 : index
    %swap3A_16 = vector.load %arg3[%swap3A, %swap3A_14, %swap3A_15] : memref<16x192x256xf32, #tpu.memory_space<vmem>>, vector<1x192x256xf32>
    %swap3A_17 = vector.shape_cast %swap3A_16 : vector<1x192x256xf32> to vector<192x256xf32>
    %swap3A_18 = vector.shape_cast %dot_general3A_13 : vector<192x256xf32> to vector<1x192x256xf32>
    tpu.vector_store %arg3[%swap3A, %swap3A_14, %swap3A_15], %swap3A_18 {strides = array<i32>} : memref<16x192x256xf32, #tpu.memory_space<vmem>>, vector<1x192x256xf32>,
    %get3A_19 = arith.constant 1 : index
    %get3A_20 = arith.constant 0 : index
    %get3A_21 = arith.constant 0 : index
    %get3A_22 = vector.load %arg1[%get3A_19, %get3A_20, %get3A_21] : memref<16x192x1024xf32, #tpu.memory_space<vmem>>, vector<1x192x1024xf32>
    %get3A_23 = vector.shape_cast %get3A_22 : vector<1x192x1024xf32> to vector<192x1024xf32>
    %get3A_24 = arith.constant 1 : index
    %get3A_25 = arith.constant 0 : index
    %get3A_26 = arith.constant 0 : index
    %get3A_27 = vector.load %arg2[%get3A_24, %get3A_25, %get3A_26] : memref<16x1x256xi32, #tpu.memory_space<vmem>>, vector<1x1x256xi32>
    %get3A_28 = vector.shape_cast %get3A_27 : vector<1x1x256xi32> to vector<256xi32>
    %broadcast_in_dim3A_29 = vector.shape_cast %get3A_28 : vector<256xi32> to vector<1x256xi32>
    %eq3A_30 = vector.broadcast %broadcast_in_dim3A_29 : vector<1x256xi32> to vector<1024x256xi32>
    %eq3A_31 = arith.cmpi eq, %iota3A, %eq3A_30 : vector<1024x256xi32>
    %convert_element_type3A_32 = arith.extui %eq3A_31 : vector<1024x256xi1> to vector<1024x256xi32>
    %convert_element_type3A_33 = arith.sitofp %convert_element_type3A_32 : vector<1024x256xi32> to vector<1024x256xf32>
    %convert_element_type3A_34 = arith.truncf %convert_element_type3A_33 : vector<1024x256xf32> to vector<1024x256xbf16>
    %convert_element_type3A_35 = arith.truncf %get3A_23 : vector<192x1024xf32> to vector<192x1024xbf16>
    %dot_general3A_36 = arith.constant dense<0.000000e+00> : vector<192x256xf32>
    %dot_general3A_37 = tpu.matmul %convert_element_type3A_35, %convert_element_type3A_34, %dot_general3A_36 {dimension_numbers = #tpu.dot_dimension_numbers<[1], [0], [0], [1], [0, 0, 1, 1], [], []>, transpose_lhs_hint = false} : vector<192x1024xbf16>, vector<1024x256xbf16>, vector<192x256xf32> -> vector<192x256xf32>
    %swap3A_38 = arith.constant 1 : index
    %swap3A_39 = arith.constant 0 : index
    %swap3A_40 = arith.constant 0 : index
    %swap3A_41 = vector.load %arg3[%swap3A_38, %swap3A_39, %swap3A_40] : memref<16x192x256xf32, #tpu.memory_space<vmem>>, vector<1x192x256xf32>
    %swap3A_42 = vector.shape_cast %swap3A_41 : vector<1x192x256xf32> to vector<192x256xf32>
    %swap3A_43 = vector.shape_cast %dot_general3A_37 : vector<192x256xf32> to vector<1x192x256xf32>
    tpu.vector_store %arg3[%swap3A_38, %swap3A_39, %swap3A_40], %swap3A_43 {strides = array<i32>} : memref<16x192x256xf32, #tpu.memory_space<vmem>>, vector<1x192x256xf32>,
    %get3A_44 = arith.constant 2 : index
    %get3A_45 = arith.constant 0 : index
    %get3A_46 = arith.constant 0 : index
    %get3A_47 = vector.load %arg1[%get3A_44, %get3A_45, %get3A_46] : memref<16x192x1024xf32, #tpu.memory_space<vmem>>, vector<1x192x1024xf32>
    %get3A_48 = vector.shape_cast %get3A_47 : vector<1x192x1024xf32> to vector<192x1024xf32>
    %get3A_49 = arith.constant 2 : index
    %get3A_50 = arith.constant 0 : index
    %get3A_51 = arith.constant 0 : index
    %get3A_52 = vector.load %arg2[%get3A_49, %get3A_50, %get3A_51] : memref<16x1x256xi32, #tpu.memory_space<vmem>>, vector<1x1x256xi32>
    %get3A_53 = vector.shape_cast %get3A_52 : vector<1x1x256xi32> to vector<256xi32>
    %broadcast_in_dim3A_54 = vector.shape_cast %get3A_53 : vector<256xi32> to vector<1x256xi32>
    %eq3A_55 = vector.broadcast %broadcast_in_dim3A_54 : vector<1x256xi32> to vector<1024x256xi32>
    %eq3A_56 = arith.cmpi eq, %iota3A, %eq3A_55 : vector<1024x256xi32>
    %convert_element_type3A_57 = arith.extui %eq3A_56 : vector<1024x256xi1> to vector<1024x256xi32>
    %convert_element_type3A_58 = arith.sitofp %convert_element_type3A_57 : vector<1024x256xi32> to vector<1024x256xf32>
    %convert_element_type3A_59 = arith.truncf %convert_element_type3A_58 : vector<1024x256xf32> to vector<1024x256xbf16>
    %convert_element_type3A_60 = arith.truncf %get3A_48 : vector<192x1024xf32> to vector<192x1024xbf16>
    %dot_general3A_61 = arith.constant dense<0.000000e+00> : vector<192x256xf32>
    %dot_general3A_62 = tpu.matmul %convert_element_type3A_60, %convert_element_type3A_59, %dot_general3A_61 {dimension_numbers = #tpu.dot_dimension_numbers<[1], [0], [0], [1], [0, 0, 1, 1], [], []>, transpose_lhs_hint = false} : vector<192x1024xbf16>, vector<1024x256xbf16>, vector<192x256xf32> -> vector<192x256xf32>
    %swap3A_63 = arith.constant 2 : index
    %swap3A_64 = arith.constant 0 : index
    %swap3A_65 = arith.constant 0 : index
    %swap3A_66 = vector.load %arg3[%swap3A_63, %swap3A_64, %swap3A_65] : memref<16x192x256xf32, #tpu.memory_space<vmem>>, vector<1x192x256xf32>
    %swap3A_67 = vector.shape_cast %swap3A_66 : vector<1x192x256xf32> to vector<192x256xf32>
    %swap3A_68 = vector.shape_cast %dot_general3A_62 : vector<192x256xf32> to vector<1x192x256xf32>
    tpu.vector_store %arg3[%swap3A_63, %swap3A_64, %swap3A_65], %swap3A_68 {strides = array<i32>} : memref<16x192x256xf32, #tpu.memory_space<vmem>>, vector<1x192x256xf32>,
    %get3A_69 = arith.constant 3 : index
    %get3A_70 = arith.constant 0 : index
    %get3A_71 = arith.constant 0 : index
    %get3A_72 = vector.load %arg1[%get3A_69, %get3A_70, %get3A_71] : memref<16x192x1024xf32, #tpu.memory_space<vmem>>, vector<1x192x1024xf32>
    %get3A_73 = vector.shape_cast %get3A_72 : vector<1x192x1024xf32> to vector<192x1024xf32>
    %get3A_74 = arith.constant 3 : index
    %get3A_75 = arith.constant 0 : index
    %get3A_76 = arith.constant 0 : index
    %get3A_77 = vector.load %arg2[%get3A_74, %get3A_75, %get3A_76] : memref<16x1x256xi32, #tpu.memory_space<vmem>>, vector<1x1x256xi32>
    %get3A_78 = vector.shape_cast %get3A_77 : vector<1x1x256xi32> to vector<256xi32>
    %broadcast_in_dim3A_79 = vector.shape_cast %get3A_78 : vector<256xi32> to vector<1x256xi32>
    %eq3A_80 = vector.broadcast %broadcast_in_dim3A_79 : vector<1x256xi32> to vector<1024x256xi32>
    %eq3A_81 = arith.cmpi eq, %iota3A, %eq3A_80 : vector<1024x256xi32>
    %convert_element_type3A_82 = arith.extui %eq3A_81 : vector<1024x256xi1> to vector<1024x256xi32>
    %convert_element_type3A_83 = arith.sitofp %convert_element_type3A_82 : vector<1024x256xi32> to vector<1024x256xf32>
    %convert_element_type3A_84 = arith.truncf %convert_element_type3A_83 : vector<1024x256xf32> to vector<1024x256xbf16>
    %convert_element_type3A_85 = arith.truncf %get3A_73 : vector<192x1024xf32> to vector<192x1024xbf16>
    %dot_general3A_86 = arith.constant dense<0.000000e+00> : vector<192x256xf32>
    %dot_general3A_87 = tpu.matmul %convert_element_type3A_85, %convert_element_type3A_84, %dot_general3A_86 {dimension_numbers = #tpu.dot_dimension_numbers<[1], [0], [0], [1], [0, 0, 1, 1], [], []>, transpose_lhs_hint = false} : vector<192x1024xbf16>, vector<1024x256xbf16>, vector<192x256xf32> -> vector<192x256xf32>
    %swap3A_88 = arith.constant 3 : index
    %swap3A_89 = arith.constant 0 : index
    %swap3A_90 = arith.constant 0 : index
    %swap3A_91 = vector.load %arg3[%swap3A_88, %swap3A_89, %swap3A_90] : memref<16x192x256xf32, #tpu.memory_space<vmem>>, vector<1x192x256xf32>
    %swap3A_92 = vector.shape_cast %swap3A_91 : vector<1x192x256xf32> to vector<192x256xf32>
    %swap3A_93 = vector.shape_cast %dot_general3A_87 : vector<192x256xf32> to vector<1x192x256xf32>
    tpu.vector_store %arg3[%swap3A_88, %swap3A_89, %swap3A_90], %swap3A_93 {strides = array<i32>} : memref<16x192x256xf32, #tpu.memory_space<vmem>>, vector<1x192x256xf32>,
    %get3A_94 = arith.constant 4 : index
    %get3A_95 = arith.constant 0 : index
    %get3A_96 = arith.constant 0 : index
    %get3A_97 = vector.load %arg1[%get3A_94, %get3A_95, %get3A_96] : memref<16x192x1024xf32, #tpu.memory_space<vmem>>, vector<1x192x1024xf32>
    %get3A_98 = vector.shape_cast %get3A_97 : vector<1x192x1024xf32> to vector<192x1024xf32>
    %get3A_99 = arith.constant 4 : index
    %get3A_100 = arith.constant 0 : index
    %get3A_101 = arith.constant 0 : index
    %get3A_102 = vector.load %arg2[%get3A_99, %get3A_100, %get3A_101] : memref<16x1x256xi32, #tpu.memory_space<vmem>>, vector<1x1x256xi32>
    %get3A_103 = vector.shape_cast %get3A_102 : vector<1x1x256xi32> to vector<256xi32>
    %broadcast_in_dim3A_104 = vector.shape_cast %get3A_103 : vector<256xi32> to vector<1x256xi32>
    %eq3A_105 = vector.broadcast %broadcast_in_dim3A_104 : vector<1x256xi32> to vector<1024x256xi32>
    %eq3A_106 = arith.cmpi eq, %iota3A, %eq3A_105 : vector<1024x256xi32>
    %convert_element_type3A_107 = arith.extui %eq3A_106 : vector<1024x256xi1> to vector<1024x256xi32>
    %convert_element_type3A_108 = arith.sitofp %convert_element_type3A_107 : vector<1024x256xi32> to vector<1024x256xf32>
    %convert_element_type3A_109 = arith.truncf %convert_element_type3A_108 : vector<1024x256xf32> to vector<1024x256xbf16>
    %convert_element_type3A_110 = arith.truncf %get3A_98 : vector<192x1024xf32> to vector<192x1024xbf16>
    %dot_general3A_111 = arith.constant dense<0.000000e+00> : vector<192x256xf32>
    %dot_general3A_112 = tpu.matmul %convert_element_type3A_110, %convert_element_type3A_109, %dot_general3A_111 {dimension_numbers = #tpu.dot_dimension_numbers<[1], [0], [0], [1], [0, 0, 1, 1], [], []>, transpose_lhs_hint = false} : vector<192x1024xbf16>, vector<1024x256xbf16>, vector<192x256xf32> -> vector<192x256xf32>
    %swap3A_113 = arith.constant 4 : index
    %swap3A_114 = arith.constant 0 : index
    %swap3A_115 = arith.constant 0 : index
    %swap3A_116 = vector.load %arg3[%swap3A_113, %swap3A_114, %swap3A_115] : memref<16x192x256xf32, #tpu.memory_space<vmem>>, vector<1x192x256xf32>
    %swap3A_117 = vector.shape_cast %swap3A_116 : vector<1x192x256xf32> to vector<192x256xf32>
    %swap3A_118 = vector.shape_cast %dot_general3A_112 : vector<192x256xf32> to vector<1x192x256xf32>
    tpu.vector_store %arg3[%swap3A_113, %swap3A_114, %swap3A_115], %swap3A_118 {strides = array<i32>} : memref<16x192x256xf32, #tpu.memory_space<vmem>>, vector<1x192x256xf32>,
    %get3A_119 = arith.constant 5 : index
    %get3A_120 = arith.constant 0 : index
    %get3A_121 = arith.constant 0 : index
    %get3A_122 = vector.load %arg1[%get3A_119, %get3A_120, %get3A_121] : memref<16x192x1024xf32, #tpu.memory_space<vmem>>, vector<1x192x1024xf32>
    %get3A_123 = vector.shape_cast %get3A_122 : vector<1x192x1024xf32> to vector<192x1024xf32>
    %get3A_124 = arith.constant 5 : index
    %get3A_125 = arith.constant 0 : index
    %get3A_126 = arith.constant 0 : index
    %get3A_127 = vector.load %arg2[%get3A_124, %get3A_125, %get3A_126] : memref<16x1x256xi32, #tpu.memory_space<vmem>>, vector<1x1x256xi32>
    %get3A_128 = vector.shape_cast %get3A_127 : vector<1x1x256xi32> to vector<256xi32>
    %broadcast_in_dim3A_129 = vector.shape_cast %get3A_128 : vector<256xi32> to vector<1x256xi32>
    %eq3A_130 = vector.broadcast %broadcast_in_dim3A_129 : vector<1x256xi32> to vector<1024x256xi32>
    %eq3A_131 = arith.cmpi eq, %iota3A, %eq3A_130 : vector<1024x256xi32>
    %convert_element_type3A_132 = arith.extui %eq3A_131 : vector<1024x256xi1> to vector<1024x256xi32>
    %convert_element_type3A_133 = arith.sitofp %convert_element_type3A_132 : vector<1024x256xi32> to vector<1024x256xf32>
    %convert_element_type3A_134 = arith.truncf %convert_element_type3A_133 : vector<1024x256xf32> to vector<1024x256xbf16>
    %convert_element_type3A_135 = arith.truncf %get3A_123 : vector<192x1024xf32> to vector<192x1024xbf16>
    %dot_general3A_136 = arith.constant dense<0.000000e+00> : vector<192x256xf32>
    %dot_general3A_137 = tpu.matmul %convert_element_type3A_135, %convert_element_type3A_134, %dot_general3A_136 {dimension_numbers = #tpu.dot_dimension_numbers<[1], [0], [0], [1], [0, 0, 1, 1], [], []>, transpose_lhs_hint = false} : vector<192x1024xbf16>, vector<1024x256xbf16>, vector<192x256xf32> -> vector<192x256xf32>
    %swap3A_138 = arith.constant 5 : index
    %swap3A_139 = arith.constant 0 : index
    %swap3A_140 = arith.constant 0 : index
    %swap3A_141 = vector.load %arg3[%swap3A_138, %swap3A_139, %swap3A_140] : memref<16x192x256xf32, #tpu.memory_space<vmem>>, vector<1x192x256xf32>
    %swap3A_142 = vector.shape_cast %swap3A_141 : vector<1x192x256xf32> to vector<192x256xf32>
    %swap3A_143 = vector.shape_cast %dot_general3A_137 : vector<192x256xf32> to vector<1x192x256xf32>
    tpu.vector_store %arg3[%swap3A_138, %swap3A_139, %swap3A_140], %swap3A_143 {strides = array<i32>} : memref<16x192x256xf32, #tpu.memory_space<vmem>>, vector<1x192x256xf32>,
    %get3A_144 = arith.constant 6 : index
    %get3A_145 = arith.constant 0 : index
    %get3A_146 = arith.constant 0 : index
    %get3A_147 = vector.load %arg1[%get3A_144, %get3A_145, %get3A_146] : memref<16x192x1024xf32, #tpu.memory_space<vmem>>, vector<1x192x1024xf32>
    %get3A_148 = vector.shape_cast %get3A_147 : vector<1x192x1024xf32> to vector<192x1024xf32>
    %get3A_149 = arith.constant 6 : index
    %get3A_150 = arith.constant 0 : index
    %get3A_151 = arith.constant 0 : index
    %get3A_152 = vector.load %arg2[%get3A_149, %get3A_150, %get3A_151] : memref<16x1x256xi32, #tpu.memory_space<vmem>>, vector<1x1x256xi32>
    %get3A_153 = vector.shape_cast %get3A_152 : vector<1x1x256xi32> to vector<256xi32>
    %broadcast_in_dim3A_154 = vector.shape_cast %get3A_153 : vector<256xi32> to vector<1x256xi32>
    %eq3A_155 = vector.broadcast %broadcast_in_dim3A_154 : vector<1x256xi32> to vector<1024x256xi32>
    %eq3A_156 = arith.cmpi eq, %iota3A, %eq3A_155 : vector<1024x256xi32>
    %convert_element_type3A_157 = arith.extui %eq3A_156 : vector<1024x256xi1> to vector<1024x256xi32>
    %convert_element_type3A_158 = arith.sitofp %convert_element_type3A_157 : vector<1024x256xi32> to vector<1024x256xf32>
    %convert_element_type3A_159 = arith.truncf %convert_element_type3A_158 : vector<1024x256xf32> to vector<1024x256xbf16>
    %convert_element_type3A_160 = arith.truncf %get3A_148 : vector<192x1024xf32> to vector<192x1024xbf16>
    %dot_general3A_161 = arith.constant dense<0.000000e+00> : vector<192x256xf32>
    %dot_general3A_162 = tpu.matmul %convert_element_type3A_160, %convert_element_type3A_159, %dot_general3A_161 {dimension_numbers = #tpu.dot_dimension_numbers<[1], [0], [0], [1], [0, 0, 1, 1], [], []>, transpose_lhs_hint = false} : vector<192x1024xbf16>, vector<1024x256xbf16>, vector<192x256xf32> -> vector<192x256xf32>
    %swap3A_163 = arith.constant 6 : index
    %swap3A_164 = arith.constant 0 : index
    %swap3A_165 = arith.constant 0 : index
    %swap3A_166 = vector.load %arg3[%swap3A_163, %swap3A_164, %swap3A_165] : memref<16x192x256xf32, #tpu.memory_space<vmem>>, vector<1x192x256xf32>
    %swap3A_167 = vector.shape_cast %swap3A_166 : vector<1x192x256xf32> to vector<192x256xf32>
    %swap3A_168 = vector.shape_cast %dot_general3A_162 : vector<192x256xf32> to vector<1x192x256xf32>
    tpu.vector_store %arg3[%swap3A_163, %swap3A_164, %swap3A_165], %swap3A_168 {strides = array<i32>} : memref<16x192x256xf32, #tpu.memory_space<vmem>>, vector<1x192x256xf32>,
    %get3A_169 = arith.constant 7 : index
    %get3A_170 = arith.constant 0 : index
    %get3A_171 = arith.constant 0 : index
    %get3A_172 = vector.load %arg1[%get3A_169, %get3A_170, %get3A_171] : memref<16x192x1024xf32, #tpu.memory_space<vmem>>, vector<1x192x1024xf32>
    %get3A_173 = vector.shape_cast %get3A_172 : vector<1x192x1024xf32> to vector<192x1024xf32>
    %get3A_174 = arith.constant 7 : index
    %get3A_175 = arith.constant 0 : index
    %get3A_176 = arith.constant 0 : index
    %get3A_177 = vector.load %arg2[%get3A_174, %get3A_175, %get3A_176] : memref<16x1x256xi32, #tpu.memory_space<vmem>>, vector<1x1x256xi32>
    %get3A_178 = vector.shape_cast %get3A_177 : vector<1x1x256xi32> to vector<256xi32>
    %broadcast_in_dim3A_179 = vector.shape_cast %get3A_178 : vector<256xi32> to vector<1x256xi32>
    %eq3A_180 = vector.broadcast %broadcast_in_dim3A_179 : vector<1x256xi32> to vector<1024x256xi32>
    %eq3A_181 = arith.cmpi eq, %iota3A, %eq3A_180 : vector<1024x256xi32>
    %convert_element_type3A_182 = arith.extui %eq3A_181 : vector<1024x256xi1> to vector<1024x256xi32>
    %convert_element_type3A_183 = arith.sitofp %convert_element_type3A_182 : vector<1024x256xi32> to vector<1024x256xf32>
    %convert_element_type3A_184 = arith.truncf %convert_element_type3A_183 : vector<1024x256xf32> to vector<1024x256xbf16>
    %convert_element_type3A_185 = arith.truncf %get3A_173 : vector<192x1024xf32> to vector<192x1024xbf16>
    %dot_general3A_186 = arith.constant dense<0.000000e+00> : vector<192x256xf32>
    %dot_general3A_187 = tpu.matmul %convert_element_type3A_185, %convert_element_type3A_184, %dot_general3A_186 {dimension_numbers = #tpu.dot_dimension_numbers<[1], [0], [0], [1], [0, 0, 1, 1], [], []>, transpose_lhs_hint = false} : vector<192x1024xbf16>, vector<1024x256xbf16>, vector<192x256xf32> -> vector<192x256xf32>
    %swap3A_188 = arith.constant 7 : index
    %swap3A_189 = arith.constant 0 : index
    %swap3A_190 = arith.constant 0 : index
    %swap3A_191 = vector.load %arg3[%swap3A_188, %swap3A_189, %swap3A_190] : memref<16x192x256xf32, #tpu.memory_space<vmem>>, vector<1x192x256xf32>
    %swap3A_192 = vector.shape_cast %swap3A_191 : vector<1x192x256xf32> to vector<192x256xf32>
    %swap3A_193 = vector.shape_cast %dot_general3A_187 : vector<192x256xf32> to vector<1x192x256xf32>
    tpu.vector_store %arg3[%swap3A_188, %swap3A_189, %swap3A_190], %swap3A_193 {strides = array<i32>} : memref<16x192x256xf32, #tpu.memory_space<vmem>>, vector<1x192x256xf32>,
    %get3A_194 = arith.constant 8 : index
    %get3A_195 = arith.constant 0 : index
    %get3A_196 = arith.constant 0 : index
    %get3A_197 = vector.load %arg1[%get3A_194, %get3A_195, %get3A_196] : memref<16x192x1024xf32, #tpu.memory_space<vmem>>, vector<1x192x1024xf32>
    %get3A_198 = vector.shape_cast %get3A_197 : vector<1x192x1024xf32> to vector<192x1024xf32>
    %get3A_199 = arith.constant 8 : index
    %get3A_200 = arith.constant 0 : index
    %get3A_201 = arith.constant 0 : index
    %get3A_202 = vector.load %arg2[%get3A_199, %get3A_200, %get3A_201] : memref<16x1x256xi32, #tpu.memory_space<vmem>>, vector<1x1x256xi32>
    %get3A_203 = vector.shape_cast %get3A_202 : vector<1x1x256xi32> to vector<256xi32>
    %broadcast_in_dim3A_204 = vector.shape_cast %get3A_203 : vector<256xi32> to vector<1x256xi32>
    %eq3A_205 = vector.broadcast %broadcast_in_dim3A_204 : vector<1x256xi32> to vector<1024x256xi32>
    %eq3A_206 = arith.cmpi eq, %iota3A, %eq3A_205 : vector<1024x256xi32>
    %convert_element_type3A_207 = arith.extui %eq3A_206 : vector<1024x256xi1> to vector<1024x256xi32>
    %convert_element_type3A_208 = arith.sitofp %convert_element_type3A_207 : vector<1024x256xi32> to vector<1024x256xf32>
    %convert_element_type3A_209 = arith.truncf %convert_element_type3A_208 : vector<1024x256xf32> to vector<1024x256xbf16>
    %convert_element_type3A_210 = arith.truncf %get3A_198 : vector<192x1024xf32> to vector<192x1024xbf16>
    %dot_general3A_211 = arith.constant dense<0.000000e+00> : vector<192x256xf32>
    %dot_general3A_212 = tpu.matmul %convert_element_type3A_210, %convert_element_type3A_209, %dot_general3A_211 {dimension_numbers = #tpu.dot_dimension_numbers<[1], [0], [0], [1], [0, 0, 1, 1], [], []>, transpose_lhs_hint = false} : vector<192x1024xbf16>, vector<1024x256xbf16>, vector<192x256xf32> -> vector<192x256xf32>
    %swap3A_213 = arith.constant 8 : index
    %swap3A_214 = arith.constant 0 : index
    %swap3A_215 = arith.constant 0 : index
    %swap3A_216 = vector.load %arg3[%swap3A_213, %swap3A_214, %swap3A_215] : memref<16x192x256xf32, #tpu.memory_space<vmem>>, vector<1x192x256xf32>
    %swap3A_217 = vector.shape_cast %swap3A_216 : vector<1x192x256xf32> to vector<192x256xf32>
    %swap3A_218 = vector.shape_cast %dot_general3A_212 : vector<192x256xf32> to vector<1x192x256xf32>
    tpu.vector_store %arg3[%swap3A_213, %swap3A_214, %swap3A_215], %swap3A_218 {strides = array<i32>} : memref<16x192x256xf32, #tpu.memory_space<vmem>>, vector<1x192x256xf32>,
    %get3A_219 = arith.constant 9 : index
    %get3A_220 = arith.constant 0 : index
    %get3A_221 = arith.constant 0 : index
    %get3A_222 = vector.load %arg1[%get3A_219, %get3A_220, %get3A_221] : memref<16x192x1024xf32, #tpu.memory_space<vmem>>, vector<1x192x1024xf32>
    %get3A_223 = vector.shape_cast %get3A_222 : vector<1x192x1024xf32> to vector<192x1024xf32>
    %get3A_224 = arith.constant 9 : index
    %get3A_225 = arith.constant 0 : index
    %get3A_226 = arith.constant 0 : index
    %get3A_227 = vector.load %arg2[%get3A_224, %get3A_225, %get3A_226] : memref<16x1x256xi32, #tpu.memory_space<vmem>>, vector<1x1x256xi32>
    %get3A_228 = vector.shape_cast %get3A_227 : vector<1x1x256xi32> to vector<256xi32>
    %broadcast_in_dim3A_229 = vector.shape_cast %get3A_228 : vector<256xi32> to vector<1x256xi32>
    %eq3A_230 = vector.broadcast %broadcast_in_dim3A_229 : vector<1x256xi32> to vector<1024x256xi32>
    %eq3A_231 = arith.cmpi eq, %iota3A, %eq3A_230 : vector<1024x256xi32>
    %convert_element_type3A_232 = arith.extui %eq3A_231 : vector<1024x256xi1> to vector<1024x256xi32>
    %convert_element_type3A_233 = arith.sitofp %convert_element_type3A_232 : vector<1024x256xi32> to vector<1024x256xf32>
    %convert_element_type3A_234 = arith.truncf %convert_element_type3A_233 : vector<1024x256xf32> to vector<1024x256xbf16>
    %convert_element_type3A_235 = arith.truncf %get3A_223 : vector<192x1024xf32> to vector<192x1024xbf16>
    %dot_general3A_236 = arith.constant dense<0.000000e+00> : vector<192x256xf32>
    %dot_general3A_237 = tpu.matmul %convert_element_type3A_235, %convert_element_type3A_234, %dot_general3A_236 {dimension_numbers = #tpu.dot_dimension_numbers<[1], [0], [0], [1], [0, 0, 1, 1], [], []>, transpose_lhs_hint = false} : vector<192x1024xbf16>, vector<1024x256xbf16>, vector<192x256xf32> -> vector<192x256xf32>
    %swap3A_238 = arith.constant 9 : index
    %swap3A_239 = arith.constant 0 : index
    %swap3A_240 = arith.constant 0 : index
    %swap3A_241 = vector.load %arg3[%swap3A_238, %swap3A_239, %swap3A_240] : memref<16x192x256xf32, #tpu.memory_space<vmem>>, vector<1x192x256xf32>
    %swap3A_242 = vector.shape_cast %swap3A_241 : vector<1x192x256xf32> to vector<192x256xf32>
    %swap3A_243 = vector.shape_cast %dot_general3A_237 : vector<192x256xf32> to vector<1x192x256xf32>
    tpu.vector_store %arg3[%swap3A_238, %swap3A_239, %swap3A_240], %swap3A_243 {strides = array<i32>} : memref<16x192x256xf32, #tpu.memory_space<vmem>>, vector<1x192x256xf32>,
    %get3A_244 = arith.constant 10 : index
    %get3A_245 = arith.constant 0 : index
    %get3A_246 = arith.constant 0 : index
    %get3A_247 = vector.load %arg1[%get3A_244, %get3A_245, %get3A_246] : memref<16x192x1024xf32, #tpu.memory_space<vmem>>, vector<1x192x1024xf32>
    %get3A_248 = vector.shape_cast %get3A_247 : vector<1x192x1024xf32> to vector<192x1024xf32>
    %get3A_249 = arith.constant 10 : index
    %get3A_250 = arith.constant 0 : index
    %get3A_251 = arith.constant 0 : index
    %get3A_252 = vector.load %arg2[%get3A_249, %get3A_250, %get3A_251] : memref<16x1x256xi32, #tpu.memory_space<vmem>>, vector<1x1x256xi32>
    %get3A_253 = vector.shape_cast %get3A_252 : vector<1x1x256xi32> to vector<256xi32>
    %broadcast_in_dim3A_254 = vector.shape_cast %get3A_253 : vector<256xi32> to vector<1x256xi32>
    %eq3A_255 = vector.broadcast %broadcast_in_dim3A_254 : vector<1x256xi32> to vector<1024x256xi32>
    %eq3A_256 = arith.cmpi eq, %iota3A, %eq3A_255 : vector<1024x256xi32>
    %convert_element_type3A_257 = arith.extui %eq3A_256 : vector<1024x256xi1> to vector<1024x256xi32>
    %convert_element_type3A_258 = arith.sitofp %convert_element_type3A_257 : vector<1024x256xi32> to vector<1024x256xf32>
    %convert_element_type3A_259 = arith.truncf %convert_element_type3A_258 : vector<1024x256xf32> to vector<1024x256xbf16>
    %convert_element_type3A_260 = arith.truncf %get3A_248 : vector<192x1024xf32> to vector<192x1024xbf16>
    %dot_general3A_261 = arith.constant dense<0.000000e+00> : vector<192x256xf32>
    %dot_general3A_262 = tpu.matmul %convert_element_type3A_260, %convert_element_type3A_259, %dot_general3A_261 {dimension_numbers = #tpu.dot_dimension_numbers<[1], [0], [0], [1], [0, 0, 1, 1], [], []>, transpose_lhs_hint = false} : vector<192x1024xbf16>, vector<1024x256xbf16>, vector<192x256xf32> -> vector<192x256xf32>
    %swap3A_263 = arith.constant 10 : index
    %swap3A_264 = arith.constant 0 : index
    %swap3A_265 = arith.constant 0 : index
    %swap3A_266 = vector.load %arg3[%swap3A_263, %swap3A_264, %swap3A_265] : memref<16x192x256xf32, #tpu.memory_space<vmem>>, vector<1x192x256xf32>
    %swap3A_267 = vector.shape_cast %swap3A_266 : vector<1x192x256xf32> to vector<192x256xf32>
    %swap3A_268 = vector.shape_cast %dot_general3A_262 : vector<192x256xf32> to vector<1x192x256xf32>
    tpu.vector_store %arg3[%swap3A_263, %swap3A_264, %swap3A_265], %swap3A_268 {strides = array<i32>} : memref<16x192x256xf32, #tpu.memory_space<vmem>>, vector<1x192x256xf32>,
    %get3A_269 = arith.constant 11 : index
    %get3A_270 = arith.constant 0 : index
    %get3A_271 = arith.constant 0 : index
    %get3A_272 = vector.load %arg1[%get3A_269, %get3A_270, %get3A_271] : memref<16x192x1024xf32, #tpu.memory_space<vmem>>, vector<1x192x1024xf32>
    %get3A_273 = vector.shape_cast %get3A_272 : vector<1x192x1024xf32> to vector<192x1024xf32>
    %get3A_274 = arith.constant 11 : index
    %get3A_275 = arith.constant 0 : index
    %get3A_276 = arith.constant 0 : index
    %get3A_277 = vector.load %arg2[%get3A_274, %get3A_275, %get3A_276] : memref<16x1x256xi32, #tpu.memory_space<vmem>>, vector<1x1x256xi32>
    %get3A_278 = vector.shape_cast %get3A_277 : vector<1x1x256xi32> to vector<256xi32>
    %broadcast_in_dim3A_279 = vector.shape_cast %get3A_278 : vector<256xi32> to vector<1x256xi32>
    %eq3A_280 = vector.broadcast %broadcast_in_dim3A_279 : vector<1x256xi32> to vector<1024x256xi32>
    %eq3A_281 = arith.cmpi eq, %iota3A, %eq3A_280 : vector<1024x256xi32>
    %convert_element_type3A_282 = arith.extui %eq3A_281 : vector<1024x256xi1> to vector<1024x256xi32>
    %convert_element_type3A_283 = arith.sitofp %convert_element_type3A_282 : vector<1024x256xi32> to vector<1024x256xf32>
    %convert_element_type3A_284 = arith.truncf %convert_element_type3A_283 : vector<1024x256xf32> to vector<1024x256xbf16>
    %convert_element_type3A_285 = arith.truncf %get3A_273 : vector<192x1024xf32> to vector<192x1024xbf16>
    %dot_general3A_286 = arith.constant dense<0.000000e+00> : vector<192x256xf32>
    %dot_general3A_287 = tpu.matmul %convert_element_type3A_285, %convert_element_type3A_284, %dot_general3A_286 {dimension_numbers = #tpu.dot_dimension_numbers<[1], [0], [0], [1], [0, 0, 1, 1], [], []>, transpose_lhs_hint = false} : vector<192x1024xbf16>, vector<1024x256xbf16>, vector<192x256xf32> -> vector<192x256xf32>
    %swap3A_288 = arith.constant 11 : index
    %swap3A_289 = arith.constant 0 : index
    %swap3A_290 = arith.constant 0 : index
    %swap3A_291 = vector.load %arg3[%swap3A_288, %swap3A_289, %swap3A_290] : memref<16x192x256xf32, #tpu.memory_space<vmem>>, vector<1x192x256xf32>
    %swap3A_292 = vector.shape_cast %swap3A_291 : vector<1x192x256xf32> to vector<192x256xf32>
    %swap3A_293 = vector.shape_cast %dot_general3A_287 : vector<192x256xf32> to vector<1x192x256xf32>
    tpu.vector_store %arg3[%swap3A_288, %swap3A_289, %swap3A_290], %swap3A_293 {strides = array<i32>} : memref<16x192x256xf32, #tpu.memory_space<vmem>>, vector<1x192x256xf32>,
    %get3A_294 = arith.constant 12 : index
    %get3A_295 = arith.constant 0 : index
    %get3A_296 = arith.constant 0 : index
    %get3A_297 = vector.load %arg1[%get3A_294, %get3A_295, %get3A_296] : memref<16x192x1024xf32, #tpu.memory_space<vmem>>, vector<1x192x1024xf32>
    %get3A_298 = vector.shape_cast %get3A_297 : vector<1x192x1024xf32> to vector<192x1024xf32>
    %get3A_299 = arith.constant 12 : index
    %get3A_300 = arith.constant 0 : index
    %get3A_301 = arith.constant 0 : index
    %get3A_302 = vector.load %arg2[%get3A_299, %get3A_300, %get3A_301] : memref<16x1x256xi32, #tpu.memory_space<vmem>>, vector<1x1x256xi32>
    %get3A_303 = vector.shape_cast %get3A_302 : vector<1x1x256xi32> to vector<256xi32>
    %broadcast_in_dim3A_304 = vector.shape_cast %get3A_303 : vector<256xi32> to vector<1x256xi32>
    %eq3A_305 = vector.broadcast %broadcast_in_dim3A_304 : vector<1x256xi32> to vector<1024x256xi32>
    %eq3A_306 = arith.cmpi eq, %iota3A, %eq3A_305 : vector<1024x256xi32>
    %convert_element_type3A_307 = arith.extui %eq3A_306 : vector<1024x256xi1> to vector<1024x256xi32>
    %convert_element_type3A_308 = arith.sitofp %convert_element_type3A_307 : vector<1024x256xi32> to vector<1024x256xf32>
    %convert_element_type3A_309 = arith.truncf %convert_element_type3A_308 : vector<1024x256xf32> to vector<1024x256xbf16>
    %convert_element_type3A_310 = arith.truncf %get3A_298 : vector<192x1024xf32> to vector<192x1024xbf16>
    %dot_general3A_311 = arith.constant dense<0.000000e+00> : vector<192x256xf32>
    %dot_general3A_312 = tpu.matmul %convert_element_type3A_310, %convert_element_type3A_309, %dot_general3A_311 {dimension_numbers = #tpu.dot_dimension_numbers<[1], [0], [0], [1], [0, 0, 1, 1], [], []>, transpose_lhs_hint = false} : vector<192x1024xbf16>, vector<1024x256xbf16>, vector<192x256xf32> -> vector<192x256xf32>
    %swap3A_313 = arith.constant 12 : index
    %swap3A_314 = arith.constant 0 : index
    %swap3A_315 = arith.constant 0 : index
    %swap3A_316 = vector.load %arg3[%swap3A_313, %swap3A_314, %swap3A_315] : memref<16x192x256xf32, #tpu.memory_space<vmem>>, vector<1x192x256xf32>
    %swap3A_317 = vector.shape_cast %swap3A_316 : vector<1x192x256xf32> to vector<192x256xf32>
    %swap3A_318 = vector.shape_cast %dot_general3A_312 : vector<192x256xf32> to vector<1x192x256xf32>
    tpu.vector_store %arg3[%swap3A_313, %swap3A_314, %swap3A_315], %swap3A_318 {strides = array<i32>} : memref<16x192x256xf32, #tpu.memory_space<vmem>>, vector<1x192x256xf32>,
    %get3A_319 = arith.constant 13 : index
    %get3A_320 = arith.constant 0 : index
    %get3A_321 = arith.constant 0 : index
    %get3A_322 = vector.load %arg1[%get3A_319, %get3A_320, %get3A_321] : memref<16x192x1024xf32, #tpu.memory_space<vmem>>, vector<1x192x1024xf32>
    %get3A_323 = vector.shape_cast %get3A_322 : vector<1x192x1024xf32> to vector<192x1024xf32>
    %get3A_324 = arith.constant 13 : index
    %get3A_325 = arith.constant 0 : index
    %get3A_326 = arith.constant 0 : index
    %get3A_327 = vector.load %arg2[%get3A_324, %get3A_325, %get3A_326] : memref<16x1x256xi32, #tpu.memory_space<vmem>>, vector<1x1x256xi32>
    %get3A_328 = vector.shape_cast %get3A_327 : vector<1x1x256xi32> to vector<256xi32>
    %broadcast_in_dim3A_329 = vector.shape_cast %get3A_328 : vector<256xi32> to vector<1x256xi32>
    %eq3A_330 = vector.broadcast %broadcast_in_dim3A_329 : vector<1x256xi32> to vector<1024x256xi32>
    %eq3A_331 = arith.cmpi eq, %iota3A, %eq3A_330 : vector<1024x256xi32>
    %convert_element_type3A_332 = arith.extui %eq3A_331 : vector<1024x256xi1> to vector<1024x256xi32>
    %convert_element_type3A_333 = arith.sitofp %convert_element_type3A_332 : vector<1024x256xi32> to vector<1024x256xf32>
    %convert_element_type3A_334 = arith.truncf %convert_element_type3A_333 : vector<1024x256xf32> to vector<1024x256xbf16>
    %convert_element_type3A_335 = arith.truncf %get3A_323 : vector<192x1024xf32> to vector<192x1024xbf16>
    %dot_general3A_336 = arith.constant dense<0.000000e+00> : vector<192x256xf32>
    %dot_general3A_337 = tpu.matmul %convert_element_type3A_335, %convert_element_type3A_334, %dot_general3A_336 {dimension_numbers = #tpu.dot_dimension_numbers<[1], [0], [0], [1], [0, 0, 1, 1], [], []>, transpose_lhs_hint = false} : vector<192x1024xbf16>, vector<1024x256xbf16>, vector<192x256xf32> -> vector<192x256xf32>
    %swap3A_338 = arith.constant 13 : index
    %swap3A_339 = arith.constant 0 : index
    %swap3A_340 = arith.constant 0 : index
    %swap3A_341 = vector.load %arg3[%swap3A_338, %swap3A_339, %swap3A_340] : memref<16x192x256xf32, #tpu.memory_space<vmem>>, vector<1x192x256xf32>
    %swap3A_342 = vector.shape_cast %swap3A_341 : vector<1x192x256xf32> to vector<192x256xf32>
    %swap3A_343 = vector.shape_cast %dot_general3A_337 : vector<192x256xf32> to vector<1x192x256xf32>
    tpu.vector_store %arg3[%swap3A_338, %swap3A_339, %swap3A_340], %swap3A_343 {strides = array<i32>} : memref<16x192x256xf32, #tpu.memory_space<vmem>>, vector<1x192x256xf32>,
    %get3A_344 = arith.constant 14 : index
    %get3A_345 = arith.constant 0 : index
    %get3A_346 = arith.constant 0 : index
    %get3A_347 = vector.load %arg1[%get3A_344, %get3A_345, %get3A_346] : memref<16x192x1024xf32, #tpu.memory_space<vmem>>, vector<1x192x1024xf32>
    %get3A_348 = vector.shape_cast %get3A_347 : vector<1x192x1024xf32> to vector<192x1024xf32>
    %get3A_349 = arith.constant 14 : index
    %get3A_350 = arith.constant 0 : index
    %get3A_351 = arith.constant 0 : index
    %get3A_352 = vector.load %arg2[%get3A_349, %get3A_350, %get3A_351] : memref<16x1x256xi32, #tpu.memory_space<vmem>>, vector<1x1x256xi32>
    %get3A_353 = vector.shape_cast %get3A_352 : vector<1x1x256xi32> to vector<256xi32>
    %broadcast_in_dim3A_354 = vector.shape_cast %get3A_353 : vector<256xi32> to vector<1x256xi32>
    %eq3A_355 = vector.broadcast %broadcast_in_dim3A_354 : vector<1x256xi32> to vector<1024x256xi32>
    %eq3A_356 = arith.cmpi eq, %iota3A, %eq3A_355 : vector<1024x256xi32>
    %convert_element_type3A_357 = arith.extui %eq3A_356 : vector<1024x256xi1> to vector<1024x256xi32>
    %convert_element_type3A_358 = arith.sitofp %convert_element_type3A_357 : vector<1024x256xi32> to vector<1024x256xf32>
    %convert_element_type3A_359 = arith.truncf %convert_element_type3A_358 : vector<1024x256xf32> to vector<1024x256xbf16>
    %convert_element_type3A_360 = arith.truncf %get3A_348 : vector<192x1024xf32> to vector<192x1024xbf16>
    %dot_general3A_361 = arith.constant dense<0.000000e+00> : vector<192x256xf32>
    %dot_general3A_362 = tpu.matmul %convert_element_type3A_360, %convert_element_type3A_359, %dot_general3A_361 {dimension_numbers = #tpu.dot_dimension_numbers<[1], [0], [0], [1], [0, 0, 1, 1], [], []>, transpose_lhs_hint = false} : vector<192x1024xbf16>, vector<1024x256xbf16>, vector<192x256xf32> -> vector<192x256xf32>
    %swap3A_363 = arith.constant 14 : index
    %swap3A_364 = arith.constant 0 : index
    %swap3A_365 = arith.constant 0 : index
    %swap3A_366 = vector.load %arg3[%swap3A_363, %swap3A_364, %swap3A_365] : memref<16x192x256xf32, #tpu.memory_space<vmem>>, vector<1x192x256xf32>
    %swap3A_367 = vector.shape_cast %swap3A_366 : vector<1x192x256xf32> to vector<192x256xf32>
    %swap3A_368 = vector.shape_cast %dot_general3A_362 : vector<192x256xf32> to vector<1x192x256xf32>
    tpu.vector_store %arg3[%swap3A_363, %swap3A_364, %swap3A_365], %swap3A_368 {strides = array<i32>} : memref<16x192x256xf32, #tpu.memory_space<vmem>>, vector<1x192x256xf32>,
    %get3A_369 = arith.constant 15 : index
    %get3A_370 = arith.constant 0 : index
    %get3A_371 = arith.constant 0 : index
    %get3A_372 = vector.load %arg1[%get3A_369, %get3A_370, %get3A_371] : memref<16x192x1024xf32, #tpu.memory_space<vmem>>, vector<1x192x1024xf32>
    %get3A_373 = vector.shape_cast %get3A_372 : vector<1x192x1024xf32> to vector<192x1024xf32>
    %get3A_374 = arith.constant 15 : index
    %get3A_375 = arith.constant 0 : index
    %get3A_376 = arith.constant 0 : index
    %get3A_377 = vector.load %arg2[%get3A_374, %get3A_375, %get3A_376] : memref<16x1x256xi32, #tpu.memory_space<vmem>>, vector<1x1x256xi32>
    %get3A_378 = vector.shape_cast %get3A_377 : vector<1x1x256xi32> to vector<256xi32>
    %broadcast_in_dim3A_379 = vector.shape_cast %get3A_378 : vector<256xi32> to vector<1x256xi32>
    %eq3A_380 = vector.broadcast %broadcast_in_dim3A_379 : vector<1x256xi32> to vector<1024x256xi32>
    %eq3A_381 = arith.cmpi eq, %iota3A, %eq3A_380 : vector<1024x256xi32>
    %convert_element_type3A_382 = arith.extui %eq3A_381 : vector<1024x256xi1> to vector<1024x256xi32>
    %convert_element_type3A_383 = arith.sitofp %convert_element_type3A_382 : vector<1024x256xi32> to vector<1024x256xf32>
    %convert_element_type3A_384 = arith.truncf %convert_element_type3A_383 : vector<1024x256xf32> to vector<1024x256xbf16>
    %convert_element_type3A_385 = arith.truncf %get3A_373 : vector<192x1024xf32> to vector<192x1024xbf16>
    %dot_general3A_386 = arith.constant dense<0.000000e+00> : vector<192x256xf32>
    %dot_general3A_387 = tpu.matmul %convert_element_type3A_385, %convert_element_type3A_384, %dot_general3A_386 {dimension_numbers = #tpu.dot_dimension_numbers<[1], [0], [0], [1], [0, 0, 1, 1], [], []>, transpose_lhs_hint = false} : vector<192x1024xbf16>, vector<1024x256xbf16>, vector<192x256xf32> -> vector<192x256xf32>
    %swap3A_388 = arith.constant 15 : index
    %swap3A_389 = arith.constant 0 : index
    %swap3A_390 = arith.constant 0 : index
    %swap3A_391 = vector.load %arg3[%swap3A_388, %swap3A_389, %swap3A_390] : memref<16x192x256xf32, #tpu.memory_space<vmem>>, vector<1x192x256xf32>
    %swap3A_392 = vector.shape_cast %swap3A_391 : vector<1x192x256xf32> to vector<192x256xf32>
    %swap3A_393 = vector.shape_cast %dot_general3A_387 : vector<192x256xf32> to vector<1x192x256xf32>
    tpu.vector_store %arg3[%swap3A_388, %swap3A_389, %swap3A_390], %swap3A_393 {strides = array<i32>} : memref<16x192x256xf32, #tpu.memory_space<vmem>>, vector<1x192x256xf32>,
    return
  }
  func.func @transform_0(%arg0: i32) -> (i32, i32, i32) {
    %c0_i32 = arith.constant 0 : i32
    %c0_i32_0 = arith.constant 0 : i32
    %c0_i32_1 = arith.constant 0 : i32
    return %arg0, %c0_i32, %c0_i32_0 : i32, i32, i32
  }
  func.func @transform_1(%arg0: i32) -> (i32, i32, i32) {
    %c0_i32 = arith.constant 0 : i32
    %c0_i32_0 = arith.constant 0 : i32
    %c0_i32_1 = arith.constant 0 : i32
    return %arg0, %c0_i32, %c0_i32_0 : i32, i32, i32
  }
  func.func @transform_2(%arg0: i32) -> (i32, i32, i32) {
    %c0_i32 = arith.constant 0 : i32
    %c0_i32_0 = arith.constant 0 : i32
    %c0_i32_1 = arith.constant 0 : i32
    return %arg0, %c0_i32, %c0_i32_0 : i32, i32, i32
  }
}

</mosaic_0001>

<sc_bundles>
// kernel: kernel.4.cloned.1.call-start
scs
__scs_entry_jumppad:
0x0: {  	(pc) =	sbr.rel $0x88, $3  }
0x1: {  	(tag) =	ssettag $0x0;
	lr =	simm.s32 $0x1  }
0x2: {  	[smem:$0x3FA0] =	sst lr;
	_ =	strace $0xD0000000  }
0x3: {  	_ = 	snop  }
0x4: {  	_ = 	snop  }
0x5: {  	_ = 	snop  }
0x6: {  	_ = 	snop  }
0x7: {  	_ = 	snop  }
__scs_overlays_trampoline_lowered:
0x8: {  	[smem:$0x3FAF] =	sst s0  }
0x9: {  	[smem:$0x3FB0] =	sst s1  }
0xa: {  	[smem:$0x3FB1] =	sst s2  }
0xb: {  	[smem:$0x3FB2] =	sst s3  }
0xc: {  	[smem:$0x3FB3] =	sst s4  }
0xd: {  	[smem:$0x3FB4] =	sst s5  }
0xe: {  	[smem:$0x3FB5] =	sst s6  }
0xf: {  	[smem:$0x3FB6] =	sst s7  }
0x10: {  	[smem:$0x3FB7] =	sst s8  }
0x11: {  	[smem:$0x3FB8] =	sst s9;
	s0 =	simm.s32 @!p0 $0x0  }
0x12: {  	s1 =	sld [smem:$0x3F9E];
	s0 =	simm.s32 @p0 $0x1  }
0x13: {  	[smem:$0x3FB9] =	sst s0;
	s0 =	simm.s32 @!p1 $0x0  }
0x14: {  	s2 =	sld [smem:$0x3F9D];
	s0 =	simm.s32 @p1 $0x1  }
0x15: {  	[smem:$0x3FBA] =	sst s0;
	s0 =	simm.s32 @!p2 $0x0  }
0x16: {  	s3 =	sld [smem:$0x3FDB];
	s0 =	simm.s32 @p2 $0x1  }
0x17: {  	s4 =	simm.s32 $0x1BF5;
	[smem:$0x3FBC] =	sst s0  }
0x18: {  	s0 =	sld [smem:$0x3F9F];
	_ =	swait.ge [sflag:s4], $0x0  }
0x19: {  	s7 =	sld [smem:$0x3FA0]  }
0x1a: {  	s8 =	sadd.s32 $0xFFFFE003, lr  }
0x1b: {  	s9 =	sadd.s32 $0xFFFFFEF7, lr;
	s5 =	simm.s32 $0xFFFFFFFF;
	p2 =	slt.u32 s8, $0xFFFFF086  }
0x1c: {  	p1 =	slt.u32 s9, $0xF7A;
	s5 =	simm.s32 @!p2 $0x0  }
0x1d: {  	s5 =	simm.s32 @p1 $0x1;
	p0 =	seq.s32 s7, s2  }
0x1e: {  	s7 =	smul.u32 @!p0 $0xF7A, s2;
	p2 =	seq.s32 @!p0 s5, $0x0  }
0x1f: {  	s9 =	smul.u32 $0xF7A, s1;
	s8 =	simm.s32 @!p0 $0x1BF5;
	p2 =	por !p2, p0  }
0x20: {  	[sflag:s8] =	ssyncset.s32 @!p0 $0xFFFFF086;
	s6 =	sadd.s32 @!p0 s3, s7;
	s7 =	simm.s32 @!p0 $0x108  }
0x21: {  	s3 =	sadd.s32 s3, s9;
	s6 =	sadd.s32 @!p0 $0x88, s6;
	s7 =	simm.s32 @p2 $0x1082  }
0x22: {  	[simem:s7], [sflag:s8] =	dma.local @!p0 [hbm:s6], $0xF7A  }
0x23: {  	s9 =	sor.u32 $0xD0000000, s2;
	s6 =	simm.s32 $0x108;
	_ =	swait.ge @!p0 [sflag:s8], $0x0  }
0x24: {  	s3 =	sadd.s32 $0x88, s3;
	s6 =	simm.s32 @!p1 $0x1082;
	[sflag:s4] =	ssyncset.s32 $0xFFFFF086  }
0x25: {  	[simem:s6], [sflag:s4] =	dma.local [hbm:s3], $0xF7A  }
0x26: {  	[smem:$0x3FA0] =	sst s1;
	(tag) =	ssettag s2;
	_ =	strace s9  }
0x27: {  	s1 =	sld [smem:$0x3FB0]  }
0x28: {  	s2 =	sld [smem:$0x3FB1]  }
0x29: {  	s4 =	sld [smem:$0x3FB3]  }
0x2a: {  	p0 =	seq.s32 s5, $0x0;
	s5 =	sld [smem:$0x3FB4]  }
0x2b: {  	s6 =	sld [smem:$0x3FB5]  }
0x2c: {  	s7 =	sld [smem:$0x3FB6]  }
0x2d: {  	s3 =	simm.s32 $0x108;
	s8 =	sld [smem:$0x3FB7]  }
0x2e: {  	s3 =	simm.s32 @!p0 $0x1082;
	s9 =	sld [smem:$0x3FB8]  }
0x2f: {  	lr =	sadd.s32 s0, s3;
	s0 =	sld [smem:$0x3FAF]  }
0x30: {  	s3 =	sld [smem:$0x3FB2]  }
0x31: {  	[smem:$0x3FBB] =	sst s10  }
0x32: {  	s10 =	sld [smem:$0x3FB9];
	_ =	sdelay $0x3  }
0x33: {  	p0 =	seq.s32 s10, $0x1;
	s10 =	sld [smem:$0x3FBB];
	_ =	sdelay $0x3  }
0x34: {  	[smem:$0x3FBB] =	sst s10  }
0x35: {  	s10 =	sld [smem:$0x3FBA];
	_ =	sdelay $0x3  }
0x36: {  	p1 =	seq.s32 s10, $0x1;
	s10 =	sld [smem:$0x3FBB];
	_ =	sdelay $0x3  }
0x37: {  	[smem:$0x3FBB] =	sst s10  }
0x38: {  	s10 =	sld [smem:$0x3FBC]  }
0x39: {  	_ = 	snop;
	(pc) =	sbr.ind lr, $3  }
0x3a: {  	_ = 	snop  }
0x3b: {  	_ = 	snop  }
0x3c: {  	p2 =	seq.s32 s10, $0x1;
	s10 =	sld [smem:$0x3FBB]  }
0x3d: {  	_ =	shalt  }
0x3e: {  	_ =	shalt  }
0x3f: {  	_ =	shalt  }
0x40: {  	_ =	shalt  }
0x41: {  	_ =	shalt  }
0x42: {  	_ =	shalt  }
0x43: {  	_ =	shalt  }
0x44: {  	_ =	shalt  }
0x45: {  	_ =	shalt  }
0x46: {  	_ =	shalt  }
0x47: {  	_ =	shalt  }
0x48: {  	_ =	shalt  }
0x49: {  	_ =	shalt  }
0x4a: {  	_ =	shalt  }
0x4b: {  	_ =	shalt  }
0x4c: {  	_ =	shalt  }
0x4d: {  	_ =	shalt  }
0x4e: {  	_ =	shalt  }
0x4f: {  	_ =	shalt  }
0x50: {  	_ =	shalt  }
0x51: {  	_ =	shalt  }
0x52: {  	_ =	shalt  }
0x53: {  	_ =	shalt  }
0x54: {  	_ =	shalt  }
0x55: {  	_ =	shalt  }
0x56: {  	_ =	shalt  }
0x57: {  	_ =	shalt  }
0x58: {  	_ =	shalt  }
0x59: {  	_ =	shalt  }
0x5a: {  	_ =	shalt  }
0x5b: {  	_ =	shalt  }
0x5c: {  	_ =	shalt  }
0x5d: {  	_ =	shalt  }
0x5e: {  	_ =	shalt  }
0x5f: {  	_ =	shalt  }
0x60: {  	_ =	shalt  }
0x61: {  	_ =	shalt  }
0x62: {  	_ =	shalt  }
0x63: {  	_ =	shalt  }
0x64: {  	_ =	shalt  }
0x65: {  	_ =	shalt  }
0x66: {  	_ =	shalt  }
0x67: {  	_ =	shalt  }
0x68: {  	_ =	shalt  }
0x69: {  	_ =	shalt  }
0x6a: {  	_ =	shalt  }
0x6b: {  	_ =	shalt  }
0x6c: {  	_ =	shalt  }
0x6d: {  	_ =	shalt  }
0x6e: {  	_ =	shalt  }
0x6f: {  	_ =	shalt  }
0x70: {  	_ =	shalt  }
0x71: {  	_ =	shalt  }
0x72: {  	_ =	shalt  }
0x73: {  	_ =	shalt  }
0x74: {  	_ =	shalt  }
0x75: {  	_ =	shalt  }
0x76: {  	_ =	shalt  }
0x77: {  	_ =	shalt  }
0x78: {  	_ =	shalt  }
0x79: {  	_ =	shalt  }
0x7a: {  	_ =	shalt  }
0x7b: {  	_ =	shalt  }
0x7c: {  	_ =	shalt  }
0x7d: {  	_ =	shalt  }
0x7e: {  	_ =	shalt  }
0x7f: {  	_ =	shalt  }
0x80: {  	_ =	shalt  }
0x81: {  	_ =	shalt  }
0x82: {  	_ =	shalt  }
0x83: {  	_ =	shalt  }
0x84: {  	_ =	shalt  }
0x85: {  	_ =	shalt  }
0x86: {  	_ =	shalt  }
0x87: {  	_ =	shalt  }
.Lfunc_end0:
.L_simem_size_0:
called_computation_lowered:
.L_overlay_start_0:
0x88: {  	s2 =	sld [smem:$0x3FD9]  }
0x89: {  	s3 =	sld [smem:$0x3FFE];
	_ =	sdelay $0x1  }
0x8a: {  	s1 =	srdreg.scid  }
0x8b: {  	s0 =	sand.u32 $0x1, s1  }
0x8c: {  	s14 =	sshll.u32 s0, $0xA;
	s2 =	sadd.s32 s3, s2  }
0x8d: {  	s2 =	sadd.s32 s2, s14  }
0x8e: {  	[smem:$0x3FC7] =	sst s2  }
0x8f: {  	_ = 	snop  }
0x90: {  	s2 =	sld [smem:$0x3FD0];
	_ =	sdelay $0x2  }
0x91: {  	s15 =	simm.s32 $0xA;
	s4 =	simm.s32 $0x10  }
0x92: {  	[smem:s4], [sflag:s15] =	dma.local [hbm:s2], $0x1  }
0x93: {  	_ =	swait.eq [sflag:s15], $0x1  }
0x94: {  	[sflag:s15] =	ssyncset.done $0x0  }
0x95: {  	[sflag:s15] =	ssyncadd.s32 $0xFFFFFFFF  }
0x96: {  	s16 =	sld [smem:$0x13];
	(tm) =	ssettm $0x1  }
0x97: {  	s17 =	sld [smem:$0x3FFB];
	_ =	sdelay $0x3  }
0x98: {  	_ =	strace s17  }
0x99: {  	s3 =	sld [smem:$0x3FFC];
	_ =	sdelay $0x3  }
0x9a: {  	_ =	strace s3  }
0x9b: {  	s3 =	sld [smem:$0x3FFD];
	_ =	sdelay $0x3  }
0x9c: {  	_ =	strace s3  }
0x9d: {  	_ =	strace $0x8FFFFFFF  }
0x9e: {  	s18 =	sld [smem:$0x3FDB];
	_ =	sdelay $0x1  }
0x9f: {  	s19 =	simm.s32 $_scs_section_size  }
0xa0: {  	s5 =	simm.s32 $_size__tile_overlayer_lowered;
	s6 =	simm.s32 $_tile_overlayer_lowered  }
0xa1: {  	s22 =	simm.s32 $0x1BFF;
	s21 =	sshll.u32 s6, $0x1;
	s3 =	sadd.s32 s19, s18  }
0xa2: {  	s7 =	simm.s32 $0x0;
	s20 =	sshll.u32 s5, $0x1;
	s5 =	sadd.s32 s21, s3  }
0xa3: {  	[timem:s7], [sflag:s22] =	dma.local [hbm:s5], s20  }
0xa4: {  	_ =	swait.ge [sflag:s22], s20  }
0xa5: {  	s4 =	ssub.s32 $0x0, s20;
	[sflag:s22] =	ssyncset.done $0x0  }
0xa6: {  	[sflag:s22] =	ssyncadd.s32 s4;
	_ =	sdelay $0x1  }
0xa7: {  	s23 =	simm.s32 $0x1B8B  }
0xa8: {  	_ =	swait.ge [sflag:s23], $0x1  }
0xa9: {  	[sflag:s23] =	ssyncset.done $0x0  }
0xaa: {  	s25 =	simm.s32 $0x1B8E;
	s24 =	sld [smem:$0x3FFE];
	[sflag:s23] =	ssyncadd.s32 $0xFFFFFFFF  }
0xab: {  	s26 =	simm.s32 $execute0_lowered;
	[smem:$0x3FD2] =	sst s25  }
0xac: {  	s5 =	sshll.u32 s26, $0x1;
	_ =	strace $0x80000046;
	[dreg:$0x1] =	wrdreg $0xFFFFFFFF  }
0xad: {  	s28 =	simm.s32 $_size_execute0_lowered;
	s3 =	sadd.s32 s3, s5;
	[dreg:$0x0] =	wrdreg $0x0  }
0xae: {  	s5 =	sshll.u32 s28, $0x1;
	[dreg:$0x2] =	wrdreg s3  }
0xaf: {  	[dreg:$0x3] =	wrdreg s5  }
0xb0: {  	[dreg:$0x4] =	wrdreg $0xC0  }
0xb1: {  	_ =	task [dreg:s7], $0x5FFFF  }
0xb2: {  	[dreg:$0x1] =	wrdreg $0xFFFFFFFF  }
0xb3: {  	[dreg:$0x0] =	wrdreg $0x60  }
0xb4: {  	[dreg:$0x2] =	wrdreg s16  }
0xb5: {  	[dreg:$0x3] =	wrdreg s24  }
0xb6: {  	[dreg:$0x4] =	wrdreg $0x9  }
0xb7: {  	_ =	task.clear_ibuf [dreg:s7], $0x5FFFF;
	_ =	strace $0x90000046  }
0xb8: {  	s29 =	simm.s32 $0x9;
	_ =	strace $0x80000048  }
0xb9: {  	_ =	swait.ge [sflag:s29], $0x1  }
0xba: {  	[sflag:s29] =	ssyncadd.s32 $0xFFFFFFFF  }
0xbb: {  	_ =	strace $0x90000048  }
0xbc: {  	_ =	sfence  }
0xbd: {  	s30 =	sld [smem:$0x0];
	_ =	sdelay $0x2  }
0xbe: {  	s31 =	sshll.u32 s1, $0xD;
	s1 =	sshrl.u32 s1, $0x2  }
0xbf: {  	s3 =	sand.u32 $0x4000, s31;
	s1 =	sadd.s32 s1, s30  }
0xc0: {  	s0 =	sor.u32 s3, s0;
	s1 =	sshll.u32 s1, $0x11  }
0xc1: {  	s0 =	sor.u32 s1, s0  }
0xc2: {  	s0 =	sadd.s32 $0x8F2B, s0  }
0xc3: {  	[sflag:s0] =	ssyncadd.remote.s32 $0x1  }
0xc4: {  	_ =	sfence.sel $0xFFFF  }
0xc5: {  	[dreg:$0x0] =	wrdreg $0xFFFFFFFF;
	(pc) =	sbr.abs _section_cstart, $3  }
0xc6: {  	[dreg:$0x1] =	wrdreg $0xFFFFFFFF  }
0xc7: {  	_ =	task.clear_ibuf [dreg:s7], $0x2FFFF;
	_ =	strace $0x9FFFFFFF  }
0xc8: {  	(tm) =	ssettm $0x7FFFFFFF  }
0xc9: {  	_ =	shalt  }
tec
execute0_lowered:
.L_overlay_start_1:
0x0: {  	(tag) =	ssettag $0x1  }
0x1: {  	s3 =	rddreg [dreg:$0x0]  }
0x2: {  	s4 =	rddreg [dreg:$0x1]  }
0x3: {  	s0 =	rddreg [dreg:$0x2]  }
0x4: {  	s5 =	srdreg.scid;
	s1 =	stileid.u32  }
0x5: {  	s2 =	simm.s32 $0x0;
	s5 =	sand.u32 $0x1, s5;
	s6 =	sshll.u32 s1, $0x1  }
0x6: {  	[smem:$0x7FF] =	sst s2;
	s6 =	sor.u32 s5, s6  }
0x7: {  	_ =	strace $0x80000047;
	s5 =	ssub.s32 $0x2, s5;
	s7 =	sshll.u32 s6, $0x8  }
0x8: {  	s31 =	sshrl.u32 s5, $0x1;
	s6 =	sshll.u32 s6, $0x6;
	s4 =	sadd.s32 s7, s4  }
0x9: {  	s5 =	ssub.s32 s5, s31;
	s3 =	sadd.s32 s3, s6;
	s6 =	simm.s32 $0x1  }
0xa: {  	v0 =	vimm.s32 $0x1;
	v1 =	vimm.s32 $0x0;
	s7 =	simm.s32 $0x200;
	s4 =	sadd.s32 $0xA00, s4;
	s5 =	smax.u32 s5, $0x1  }
.LBB2_1:
0xb: {  	[tilespmem:s2], [sflag:$0x1] =	stream.linear.gather [hbm4b:s3+s2], $0x200, $0x38;
	[tilespmem:$0xA00] =	vst v63  }
0xc: {  	_ =	swait.ge [sflag:s6], $0x200  }
0xd: {  	[sflag:s6] =	ssyncset.done $0x0  }
0xe: {  	[sflag:s6] =	ssyncadd.s32 $0xFFFFFE00  }
0xf: {  	[tilespmem:$0x200] =	vst v0  }
0x10: {  	[tilespmem:$0x210] =	vst v0  }
0x11: {  	[tilespmem:$0x220] =	vst v0  }
0x12: {  	[tilespmem:$0x230] =	vst v0  }
0x13: {  	[tilespmem:$0x240] =	vst v0  }
0x14: {  	[tilespmem:$0x250] =	vst v0  }
0x15: {  	[tilespmem:$0x260] =	vst v0  }
0x16: {  	[tilespmem:$0x270] =	vst v0  }
0x17: {  	[tilespmem:$0x280] =	vst v0  }
0x18: {  	[tilespmem:$0x290] =	vst v0  }
0x19: {  	[tilespmem:$0x2A0] =	vst v0  }
0x1a: {  	[tilespmem:$0x2B0] =	vst v0  }
0x1b: {  	[tilespmem:$0x2C0] =	vst v0  }
0x1c: {  	[tilespmem:$0x2D0] =	vst v0  }
0x1d: {  	[tilespmem:$0x2E0] =	vst v0  }
0x1e: {  	[tilespmem:$0x2F0] =	vst v0  }
0x1f: {  	[tilespmem:$0x300] =	vst v0  }
0x20: {  	[tilespmem:$0x310] =	vst v0  }
0x21: {  	[tilespmem:$0x320] =	vst v0  }
0x22: {  	[tilespmem:$0x330] =	vst v0  }
0x23: {  	[tilespmem:$0x340] =	vst v0  }
0x24: {  	[tilespmem:$0x350] =	vst v0  }
0x25: {  	[tilespmem:$0x360] =	vst v0  }
0x26: {  	[tilespmem:$0x370] =	vst v0  }
0x27: {  	[tilespmem:$0x380] =	vst v0  }
0x28: {  	[tilespmem:$0x390] =	vst v0  }
0x29: {  	[tilespmem:$0x3A0] =	vst v0  }
0x2a: {  	[tilespmem:$0x3B0] =	vst v0  }
0x2b: {  	[tilespmem:$0x3C0] =	vst v0  }
0x2c: {  	[tilespmem:$0x3D0] =	vst v0  }
0x2d: {  	[tilespmem:$0x3E0] =	vst v0  }
0x2e: {  	[tilespmem:$0x3F0] =	vst v0  }
0x2f: {  	[tilespmem:$0x400] =	vst v0  }
0x30: {  	[tilespmem:$0x410] =	vst v0  }
0x31: {  	[tilespmem:$0x420] =	vst v0  }
0x32: {  	[tilespmem:$0x430] =	vst v0  }
0x33: {  	[tilespmem:$0x440] =	vst v0  }
0x34: {  	[tilespmem:$0x450] =	vst v0  }
0x35: {  	[tilespmem:$0x460] =	vst v0  }
0x36: {  	[tilespmem:$0x470] =	vst v0  }
0x37: {  	[tilespmem:$0x480] =	vst v0  }
0x38: {  	[tilespmem:$0x490] =	vst v0  }
0x39: {  	[tilespmem:$0x4A0] =	vst v0  }
0x3a: {  	[tilespmem:$0x4B0] =	vst v0  }
0x3b: {  	[tilespmem:$0x4C0] =	vst v0  }
0x3c: {  	[tilespmem:$0x4D0] =	vst v0  }
0x3d: {  	[tilespmem:$0x4E0] =	vst v0  }
0x3e: {  	[tilespmem:$0x4F0] =	vst v0  }
0x3f: {  	[tilespmem:$0x500] =	vst v0  }
0x40: {  	[tilespmem:$0x510] =	vst v0  }
0x41: {  	[tilespmem:$0x520] =	vst v0  }
0x42: {  	[tilespmem:$0x530] =	vst v0  }
0x43: {  	[tilespmem:$0x540] =	vst v0  }
0x44: {  	[tilespmem:$0x550] =	vst v0  }
0x45: {  	[tilespmem:$0x560] =	vst v0  }
0x46: {  	[tilespmem:$0x570] =	vst v0  }
0x47: {  	[tilespmem:$0x580] =	vst v0  }
0x48: {  	[tilespmem:$0x590] =	vst v0  }
0x49: {  	[tilespmem:$0x5A0] =	vst v0  }
0x4a: {  	[tilespmem:$0x5B0] =	vst v0  }
0x4b: {  	[tilespmem:$0x5C0] =	vst v0  }
0x4c: {  	[tilespmem:$0x5D0] =	vst v0  }
0x4d: {  	[tilespmem:$0x5E0] =	vst v0  }
0x4e: {  	[tilespmem:$0x5F0] =	vst v0  }
0x4f: {  	[tilespmem:$0x600] =	vst v0  }
0x50: {  	[tilespmem:$0x610] =	vst v0  }
0x51: {  	[tilespmem:$0x620] =	vst v0  }
0x52: {  	[tilespmem:$0x630] =	vst v0  }
0x53: {  	[tilespmem:$0x640] =	vst v0  }
0x54: {  	[tilespmem:$0x650] =	vst v0  }
0x55: {  	[tilespmem:$0x660] =	vst v0  }
0x56: {  	[tilespmem:$0x670] =	vst v0  }
0x57: {  	[tilespmem:$0x680] =	vst v0  }
0x58: {  	[tilespmem:$0x690] =	vst v0  }
0x59: {  	[tilespmem:$0x6A0] =	vst v0  }
0x5a: {  	[tilespmem:$0x6B0] =	vst v0  }
0x5b: {  	[tilespmem:$0x6C0] =	vst v0  }
0x5c: {  	[tilespmem:$0x6D0] =	vst v0  }
0x5d: {  	[tilespmem:$0x6E0] =	vst v0  }
0x5e: {  	[tilespmem:$0x6F0] =	vst v0  }
0x5f: {  	[tilespmem:$0x700] =	vst v0  }
0x60: {  	[tilespmem:$0x710] =	vst v0  }
0x61: {  	[tilespmem:$0x720] =	vst v0  }
0x62: {  	[tilespmem:$0x730] =	vst v0  }
0x63: {  	[tilespmem:$0x740] =	vst v0  }
0x64: {  	[tilespmem:$0x750] =	vst v0  }
0x65: {  	[tilespmem:$0x760] =	vst v0  }
0x66: {  	[tilespmem:$0x770] =	vst v0  }
0x67: {  	[tilespmem:$0x780] =	vst v0  }
0x68: {  	[tilespmem:$0x790] =	vst v0  }
0x69: {  	[tilespmem:$0x7A0] =	vst v0  }
0x6a: {  	[tilespmem:$0x7B0] =	vst v0  }
0x6b: {  	[tilespmem:$0x7C0] =	vst v0  }
0x6c: {  	[tilespmem:$0x7D0] =	vst v0  }
0x6d: {  	[tilespmem:$0x7E0] =	vst v0  }
0x6e: {  	[tilespmem:$0x7F0] =	vst v0  }
0x6f: {  	[tilespmem:$0x800] =	vst v0  }
0x70: {  	[tilespmem:$0x810] =	vst v0  }
0x71: {  	[tilespmem:$0x820] =	vst v0  }
0x72: {  	[tilespmem:$0x830] =	vst v0  }
0x73: {  	[tilespmem:$0x840] =	vst v0  }
0x74: {  	[tilespmem:$0x850] =	vst v0  }
0x75: {  	[tilespmem:$0x860] =	vst v0  }
0x76: {  	[tilespmem:$0x870] =	vst v0  }
0x77: {  	[tilespmem:$0x880] =	vst v0  }
0x78: {  	[tilespmem:$0x890] =	vst v0  }
0x79: {  	[tilespmem:$0x8A0] =	vst v0  }
0x7a: {  	[tilespmem:$0x8B0] =	vst v0  }
0x7b: {  	[tilespmem:$0x8C0] =	vst v0  }
0x7c: {  	[tilespmem:$0x8D0] =	vst v0  }
0x7d: {  	[tilespmem:$0x8E0] =	vst v0  }
0x7e: {  	[tilespmem:$0x8F0] =	vst v0  }
0x7f: {  	[tilespmem:$0x900] =	vst v0  }
0x80: {  	[tilespmem:$0x910] =	vst v0  }
0x81: {  	[tilespmem:$0x920] =	vst v0  }
0x82: {  	[tilespmem:$0x930] =	vst v0  }
0x83: {  	[tilespmem:$0x940] =	vst v0  }
0x84: {  	[tilespmem:$0x950] =	vst v0  }
0x85: {  	[tilespmem:$0x960] =	vst v0  }
0x86: {  	[tilespmem:$0x970] =	vst v0  }
0x87: {  	[tilespmem:$0x980] =	vst v0;
	v2 =	vld [tilespmem:$0x0]  }
0x88: {  	[tilespmem:$0x990] =	vst v0  }
0x89: {  	[tilespmem:$0x9A0] =	vst v0  }
0x8a: {  	[tilespmem:$0x9B0] =	vst v0  }
0x8b: {  	[tilespmem:$0x9C0] =	vst v0  }
0x8c: {  	[tilespmem:$0x9D0] =	vst v0  }
0x8d: {  	[tilespmem:$0x9E0] =	vst v0  }
0x8e: {  	[tilespmem:$0x9F0] =	vst v0  }
0x8f: {  	[tilespmem:v2+s7+$0x0] =	vst.idx.msk $0xffff, v1  }
0x90: {  	v2 =	vld [tilespmem:$0x10];
	_ =	sdelay $0x7  }
0x91: {  	[tilespmem:v2+s7+$0x0] =	vst.idx.msk $0xffff, v1  }
0x92: {  	v2 =	vld [tilespmem:$0x20];
	_ =	sdelay $0x7  }
0x93: {  	[tilespmem:v2+s7+$0x0] =	vst.idx.msk $0xffff, v1  }
0x94: {  	v2 =	vld [tilespmem:$0x30];
	_ =	sdelay $0x7  }
0x95: {  	[tilespmem:v2+s7+$0x0] =	vst.idx.msk $0xffff, v1  }
0x96: {  	v2 =	vld [tilespmem:$0x40];
	_ =	sdelay $0x7  }
0x97: {  	[tilespmem:v2+s7+$0x0] =	vst.idx.msk $0xffff, v1  }
0x98: {  	v2 =	vld [tilespmem:$0x50];
	_ =	sdelay $0x7  }
0x99: {  	[tilespmem:v2+s7+$0x0] =	vst.idx.msk $0xffff, v1  }
0x9a: {  	v2 =	vld [tilespmem:$0x60];
	_ =	sdelay $0x7  }
0x9b: {  	[tilespmem:v2+s7+$0x0] =	vst.idx.msk $0xffff, v1  }
0x9c: {  	v2 =	vld [tilespmem:$0x70];
	_ =	sdelay $0x7  }
0x9d: {  	[tilespmem:v2+s7+$0x0] =	vst.idx.msk $0xffff, v1  }
0x9e: {  	v2 =	vld [tilespmem:$0x80];
	_ =	sdelay $0x7  }
0x9f: {  	[tilespmem:v2+s7+$0x0] =	vst.idx.msk $0xffff, v1  }
0xa0: {  	v2 =	vld [tilespmem:$0x90];
	_ =	sdelay $0x7  }
0xa1: {  	[tilespmem:v2+s7+$0x0] =	vst.idx.msk $0xffff, v1  }
0xa2: {  	v2 =	vld [tilespmem:$0xA0];
	_ =	sdelay $0x7  }
0xa3: {  	[tilespmem:v2+s7+$0x0] =	vst.idx.msk $0xffff, v1  }
0xa4: {  	v2 =	vld [tilespmem:$0xB0];
	_ =	sdelay $0x7  }
0xa5: {  	[tilespmem:v2+s7+$0x0] =	vst.idx.msk $0xffff, v1  }
0xa6: {  	v2 =	vld [tilespmem:$0xC0];
	_ =	sdelay $0x7  }
0xa7: {  	[tilespmem:v2+s7+$0x0] =	vst.idx.msk $0xffff, v1  }
0xa8: {  	v2 =	vld [tilespmem:$0xD0];
	_ =	sdelay $0x7  }
0xa9: {  	[tilespmem:v2+s7+$0x0] =	vst.idx.msk $0xffff, v1  }
0xaa: {  	v2 =	vld [tilespmem:$0xE0];
	_ =	sdelay $0x7  }
0xab: {  	[tilespmem:v2+s7+$0x0] =	vst.idx.msk $0xffff, v1  }
0xac: {  	v2 =	vld [tilespmem:$0xF0];
	_ =	sdelay $0x7  }
0xad: {  	[tilespmem:v2+s7+$0x0] =	vst.idx.msk $0xffff, v1  }
0xae: {  	v2 =	vld [tilespmem:$0x100];
	_ =	sdelay $0x4  }
0xaf: {  	v2 =	vadd.s32 $0x400, v2;
	_ =	sdelay $0x4  }
0xb0: {  	[tilespmem:v2+s7+$0x0] =	vst.idx.msk $0xffff, v1  }
0xb1: {  	v2 =	vld [tilespmem:$0x110];
	_ =	sdelay $0x4  }
0xb2: {  	v2 =	vadd.s32 $0x400, v2;
	_ =	sdelay $0x4  }
0xb3: {  	[tilespmem:v2+s7+$0x0] =	vst.idx.msk $0xffff, v1  }
0xb4: {  	v2 =	vld [tilespmem:$0x120];
	_ =	sdelay $0x4  }
0xb5: {  	v2 =	vadd.s32 $0x400, v2;
	_ =	sdelay $0x4  }
0xb6: {  	[tilespmem:v2+s7+$0x0] =	vst.idx.msk $0xffff, v1  }
0xb7: {  	v2 =	vld [tilespmem:$0x130];
	_ =	sdelay $0x4  }
0xb8: {  	v2 =	vadd.s32 $0x400, v2;
	_ =	sdelay $0x4  }
0xb9: {  	[tilespmem:v2+s7+$0x0] =	vst.idx.msk $0xffff, v1  }
0xba: {  	v2 =	vld [tilespmem:$0x140];
	_ =	sdelay $0x4  }
0xbb: {  	v2 =	vadd.s32 $0x400, v2;
	_ =	sdelay $0x4  }
0xbc: {  	[tilespmem:v2+s7+$0x0] =	vst.idx.msk $0xffff, v1  }
0xbd: {  	v2 =	vld [tilespmem:$0x150];
	_ =	sdelay $0x4  }
0xbe: {  	v2 =	vadd.s32 $0x400, v2;
	_ =	sdelay $0x4  }
0xbf: {  	[tilespmem:v2+s7+$0x0] =	vst.idx.msk $0xffff, v1  }
0xc0: {  	v2 =	vld [tilespmem:$0x160];
	_ =	sdelay $0x4  }
0xc1: {  	v2 =	vadd.s32 $0x400, v2;
	_ =	sdelay $0x4  }
0xc2: {  	[tilespmem:v2+s7+$0x0] =	vst.idx.msk $0xffff, v1  }
0xc3: {  	v2 =	vld [tilespmem:$0x170];
	_ =	sdelay $0x4  }
0xc4: {  	v2 =	vadd.s32 $0x400, v2;
	_ =	sdelay $0x4  }
0xc5: {  	[tilespmem:v2+s7+$0x0] =	vst.idx.msk $0xffff, v1  }
0xc6: {  	v2 =	vld [tilespmem:$0x180];
	_ =	sdelay $0x4  }
0xc7: {  	v2 =	vadd.s32 $0x400, v2;
	_ =	sdelay $0x4  }
0xc8: {  	[tilespmem:v2+s7+$0x0] =	vst.idx.msk $0xffff, v1  }
0xc9: {  	v2 =	vld [tilespmem:$0x190];
	_ =	sdelay $0x4  }
0xca: {  	v2 =	vadd.s32 $0x400, v2;
	_ =	sdelay $0x4  }
0xcb: {  	[tilespmem:v2+s7+$0x0] =	vst.idx.msk $0xffff, v1  }
0xcc: {  	v2 =	vld [tilespmem:$0x1A0];
	_ =	sdelay $0x4  }
0xcd: {  	v2 =	vadd.s32 $0x400, v2;
	_ =	sdelay $0x4  }
0xce: {  	[tilespmem:v2+s7+$0x0] =	vst.idx.msk $0xffff, v1  }
0xcf: {  	v2 =	vld [tilespmem:$0x1B0];
	_ =	sdelay $0x4  }
0xd0: {  	v2 =	vadd.s32 $0x400, v2;
	_ =	sdelay $0x4  }
0xd1: {  	[tilespmem:v2+s7+$0x0] =	vst.idx.msk $0xffff, v1  }
0xd2: {  	v2 =	vld [tilespmem:$0x1C0];
	_ =	sdelay $0x4  }
0xd3: {  	v2 =	vadd.s32 $0x400, v2;
	_ =	sdelay $0x4  }
0xd4: {  	[tilespmem:v2+s7+$0x0] =	vst.idx.msk $0xffff, v1  }
0xd5: {  	v2 =	vld [tilespmem:$0x1D0];
	_ =	sdelay $0x4  }
0xd6: {  	v2 =	vadd.s32 $0x400, v2;
	_ =	sdelay $0x4  }
0xd7: {  	[tilespmem:v2+s7+$0x0] =	vst.idx.msk $0xffff, v1  }
0xd8: {  	v2 =	vld [tilespmem:$0x1E0];
	_ =	sdelay $0x4  }
0xd9: {  	v2 =	vadd.s32 $0x400, v2;
	_ =	sdelay $0x4  }
0xda: {  	[tilespmem:v2+s7+$0x0] =	vst.idx.msk $0xffff, v1  }
0xdb: {  	v2 =	vld [tilespmem:$0x1F0];
	_ =	sdelay $0x4  }
0xdc: {  	v2 =	vadd.s32 $0x400, v2;
	_ =	sdelay $0x3  }
0xdd: {  	p0 =	sne.s32 s5, $0x1  }
.Ltmp0:
0xde: {  	[tilespmem:v2+s7+$0x0] =	vst.idx.msk $0xffff, v1;
	(pc) =	sbr.rel @p0 .LBB2_1-.Ltmp0, $4  }
0xdf: {  	[hbm4b:s4+s2] =	stream.linear.scatter [tilespmem:s7], [sflag:$0x1], $0x800, $0x38;
	[tilespmem:$0xA00] =	vst v63  }
0xe0: {  	_ =	swait.ge [sflag:s6], $0x800  }
0xe1: {  	[sflag:s6] =	ssyncset.done $0x0  }
0xe2: {  	s5 =	sadd.s32 $0xFFFFFFFF, s5;
	[sflag:s6] =	ssyncadd.s32 $0xFFFFF800  }
0xe3: {  	_ =	sfence.sel $0x180000  }
0xe4: {  	[bflag:$0x0] =	sbarrier.arrive $0xFFFF  }
0xe5: {  	p0 =	sne.s32 s1, $0x0;
	_ =	strace $0x90000047  }
0xe6: {  	s0 =	sadd.s32 @!p0 $0x100000, s0;
	[bflag:$0x2] =	sbarrier.arrive $0xFFFF  }
0xe7: {  	[sflag:s0] =	ssyncadd.tile.s32 @!p0 $0x1;
	_ =	shalt  }
.Lfunc_end2:
_tile_overlayer_lowered:
.L_overlay_start_2:
0xe8: {  	(tag) =	ssettag $0x2  }
0xe9: {  	s0 =	rddreg [dreg:$0x0];
	s2 =	stileid.u32  }
0xea: {  	s1 =	rddreg [dreg:$0x1];
	p0 =	sne.s32 s2, $0x0  }
0xeb: {  	s3 =	rddreg [dreg:$0x2];
	[bflag:$0x3] =	sbarrier.arrive $0xFFFF;
	s2 =	simm.s32 @!p0 $0x1C01  }
0xec: {  	[timem:s3], [sflag:s2] =	dma.local @!p0 [hbm:s0], s1  }
0xed: {  	s0 =	simm.s32 @!p0 $0x1  }
0xee: {  	_ =	swait.ge @!p0 [sflag:s0], s1  }
0xef: {  	s1 =	ssub.s32 @!p0 $0x0, s1;
	[sflag:s0] =	ssyncset.done @!p0 $0x0  }
0xf0: {  	[sflag:s0] =	ssyncadd.s32 @!p0 s1  }
0xf1: {  	[bflag:$0x3] =	sbarrier.arrive $0xFFFF  }
0xf2: {  	_ =	shalt  }

</sc_bundles>
